<compile_context>
chip_gen: v7x
topology: tpu7x:2x2x1
jax: 0.10.2.dev20260603
libtpu: 0.0.44.dev20260713+nightly
codegen_flags: <defaults>
</compile_context>

<pallas_src>
import functools

import jax
import jax.numpy as jnp
from jax import lax
from jax.experimental import pallas as pl
from jax.experimental.pallas import tpu as pltpu
from jax.experimental.pallas import tpu_sc as plsc

N = 10000
E = 320000
IN_DIM = 128
OUT_DIM = 128
EH = 32
NC = 2
NS = 16
NW = NC * NS
EPW = E // NW
CH = 40
GPC = 25
GE = CH * GPC
NG = EPW // GE
RPW = EPW // CH
SCH = 80
SGPC = 25
SGE = SCH * SGPC
SNG = EPW // SGE
SRPW = EPW // SCH
RPS = N // NS


def _sig(t):
    return 1.0 / (1.0 + jnp.exp(-t))



def _proj_body(x_ref, wa_ref, wb_ref, xa_ref, xb_ref):
    xv = x_ref[...]
    xa_ref[...] = jnp.dot(xv, wa_ref[...],
                          preferred_element_type=jnp.float32)
    xb_ref[...] = jnp.dot(xv, wb_ref[...],
                          preferred_element_type=jnp.float32)


def _proj(x2, w1a, w1b):
    bn = 2000
    return pl.pallas_call(
        _proj_body,
        grid=(N // bn,),
        in_specs=[
            pl.BlockSpec((bn, IN_DIM), lambda i: (i, 0)),
            pl.BlockSpec((IN_DIM, EH), lambda i: (0, 0)),
            pl.BlockSpec((IN_DIM, EH), lambda i: (0, 0)),
        ],
        out_specs=[
            pl.BlockSpec((bn, EH), lambda i: (i, 0)),
            pl.BlockSpec((bn, EH), lambda i: (i, 0)),
        ],
        out_shape=[
            jax.ShapeDtypeStruct((N, EH), jnp.float32),
            jax.ShapeDtypeStruct((N, EH), jnp.float32),
        ],
    )(x2, w1a, w1b)



def _ewc_body(ew0_ref, ew1_ref, ew2_ref, ew3_ref, w1c_ref, o_ref):
    dn = (((0,), (0,)), ((), ()))
    w1c = w1c_ref[...]
    o_ref[...] = jnp.concatenate(
        [lax.dot_general(r[...], w1c, dn, preferred_element_type=jnp.float32)
         for r in (ew0_ref, ew1_ref, ew2_ref, ew3_ref)],
        axis=1)


def _ewc(ewT, w1c):
    br = 3200
    ep = E // 4
    nb = ep // br
    return pl.pallas_call(
        _ewc_body,
        grid=(nb,),
        in_specs=[
            pl.BlockSpec((3, br), lambda i: (0, i)),
            pl.BlockSpec((3, br), lambda i: (0, i + nb)),
            pl.BlockSpec((3, br), lambda i: (0, i + 2 * nb)),
            pl.BlockSpec((3, br), lambda i: (0, i + 3 * nb)),
            pl.BlockSpec((3, EH), lambda i: (0, 0)),
        ],
        out_specs=pl.BlockSpec((br, 128), lambda i: (i, 0)),
        out_shape=jax.ShapeDtypeStruct((ep, 128), jnp.float32),
    )(ewT, ewT, ewT, ewT, w1c)



def _gather_body(xa_hbm, xb_hbm, ei_hbm, ga_hbm, gb_hbm,
                 src_i, tgt_i, ga_v, gb_v, sem, wsem):
    c = lax.axis_index("c")
    s = lax.axis_index("s")
    wid = c * NS + s

    qw = wid // (NW // 4)
    lr0 = (wid % (NW // 4)) * EPW
    sb = GPC // 5

    def drain_sub(buf_v, j):
        pltpu.make_async_copy(xa_hbm.at[pl.ds(0, 5 * CH)],
                              buf_v.at[pl.ds(j * 5 * CH, 5 * CH)],
                              sem).wait()

    def drain_writes():
        pltpu.make_async_copy(xa_hbm.at[pl.ds(0, GE)], ga_v, wsem).wait()
        pltpu.make_async_copy(xa_hbm.at[pl.ds(0, GE)], gb_v, wsem).wait()

    def group(g, carry):
        e0 = wid * EPW + g * GE
        rr = lr0 + g * GE
        @pl.when(g > 0)
        def _():
            drain_writes()
        pltpu.sync_copy(ei_hbm.at[0, pl.ds(e0, GE)], src_i)
        pltpu.sync_copy(ei_hbm.at[1, pl.ds(e0, GE)], tgt_i)

        def burst(j, c2):
            for u in range(5):
                k = j * 5 + u
                pltpu.async_copy(xa_hbm.at[src_i.at[pl.ds(k * CH, CH)]],
                                 ga_v.at[pl.ds(k * CH, CH)], sem)
                pltpu.async_copy(xb_hbm.at[tgt_i.at[pl.ds(k * CH, CH)]],
                                 gb_v.at[pl.ds(k * CH, CH)], sem)
            @pl.when(j > 0)
            def _():
                drain_sub(ga_v, j - 1)
                drain_sub(gb_v, j - 1)
            return c2

        lax.fori_loop(0, sb, burst, 0)
        drain_sub(ga_v, sb - 1)
        drain_sub(gb_v, sb - 1)
        pltpu.async_copy(ga_v, ga_hbm.at[pl.ds(rr, GE), pl.ds(EH * qw, EH)],
                         wsem)
        pltpu.async_copy(gb_v, gb_hbm.at[pl.ds(rr, GE), pl.ds(EH * qw, EH)],
                         wsem)
        return carry

    lax.fori_loop(0, NG, group, 0)
    drain_writes()


def _gather(xa, xb, ei):
    mesh = plsc.VectorSubcoreMesh(core_axis_name="c", subcore_axis_name="s")
    f = pl.kernel(
        _gather_body,
        out_type=[
            jax.ShapeDtypeStruct((E // 4, 128), jnp.float32),
            jax.ShapeDtypeStruct((E // 4, 128), jnp.float32),
        ],
        mesh=mesh,
        compiler_params=pltpu.CompilerParams(use_tc_tiling_on_sc=False),
        scratch_types=[
            pltpu.VMEM((GE,), jnp.int32),
            pltpu.VMEM((GE,), jnp.int32),
            pltpu.VMEM((GE, EH), jnp.float32),
            pltpu.VMEM((GE, EH), jnp.float32),
            pltpu.SemaphoreType.DMA,
            pltpu.SemaphoreType.DMA,
        ],
    )
    return f(xa, xb, ei)



def _edge_body(ga_ref, gb_ref, ewc_ref, b1_ref, w2_ref, b2_ref, o_ref):
    pre1 = ga_ref[...] + gb_ref[...] + ewc_ref[...] + b1_ref[...]
    h1 = _sig(pre1)
    o_ref[...] = _sig(jnp.dot(h1, w2_ref[...],
                              preferred_element_type=jnp.float32)
                      + b2_ref[...])


def _edge_mlp(ga_p, gb_p, ewc_p, b1t, w2_blk, b2t):
    br = 4000
    ep = E // 4
    nb = ep // br
    return pl.pallas_call(
        _edge_body,
        grid=(nb,),
        in_specs=[
            pl.BlockSpec((br, 128), lambda i: (i, 0)),
            pl.BlockSpec((br, 128), lambda i: (i, 0)),
            pl.BlockSpec((br, 128), lambda i: (i, 0)),
            pl.BlockSpec((1, 128), lambda i: (0, 0)),
            pl.BlockSpec((128, 128), lambda i: (0, 0)),
            pl.BlockSpec((1, 128), lambda i: (0, 0)),
        ],
        out_specs=pl.BlockSpec((br, 128), lambda i: (i, 0)),
        out_shape=jax.ShapeDtypeStruct((ep, 128), jnp.float32),
    )(ga_p, gb_p, ewc_p, b1t, w2_blk, b2t)



def _scatter_body(h2_hbm, src_hbm, tgt_hbm, zer_hbm, out_hbm,
                  src_i, tgt_i, h2_v, acc_a, acc_b, sem):
    c = lax.axis_index("c")
    s = lax.axis_index("s")
    wid = c * NS + s
    r0 = s * RPS
    qw = wid // (NW // 4)
    lr0 = (wid % (NW // 4)) * EPW

    pltpu.sync_copy(zer_hbm, acc_a.at[pl.ds(r0, RPS)])
    pltpu.sync_copy(zer_hbm, acc_b.at[pl.ds(r0, RPS)])
    plsc.subcore_barrier()

    def group(g, carry):
        row0 = wid * SRPW + g * SGPC
        rr = lr0 + g * SGE
        pltpu.sync_copy(h2_hbm.at[pl.ds(rr, SGE), pl.ds(EH * qw, EH)], h2_v)
        pltpu.sync_copy(src_hbm.at[pl.ds(row0, SGPC)], src_i)
        pltpu.sync_copy(tgt_hbm.at[pl.ds(row0, SGPC)], tgt_i)

        def burst(j, c2):
            for u in range(5):
                k = j * 5 + u
                sl = h2_v.at[pl.ds(k * SCH, SCH)]
                pltpu.sync_copy(sl, acc_a.at[tgt_i.at[k]], add=True)
                pltpu.sync_copy(sl, acc_b.at[src_i.at[k]], add=True)
            return c2

        lax.fori_loop(0, SGPC // 5, burst, 0)
        return carry

    lax.fori_loop(0, SNG, group, 0)
    plsc.subcore_barrier()

    pltpu.sync_copy(acc_a.at[pl.ds(r0, RPS)],
                    out_hbm.at[2 * c, pl.ds(r0, RPS)])
    pltpu.sync_copy(acc_b.at[pl.ds(r0, RPS)],
                    out_hbm.at[2 * c + 1, pl.ds(r0, RPS)])


def _scatter(h2, src2, tgt2, zer):
    mesh = plsc.VectorSubcoreMesh(core_axis_name="c", subcore_axis_name="s")
    f = pl.kernel(
        _scatter_body,
        out_type=jax.ShapeDtypeStruct((4, N, EH), jnp.float32),
        name="scatter_sc",
        mesh=mesh,
        compiler_params=pltpu.CompilerParams(use_tc_tiling_on_sc=False),
        scratch_types=[
            pltpu.VMEM((SGPC, SCH), jnp.int32),
            pltpu.VMEM((SGPC, SCH), jnp.int32),
            pltpu.VMEM((SGE, EH), jnp.float32),
            pltpu.VMEM_SHARED((N, EH), jnp.float32),
            pltpu.VMEM_SHARED((N, EH), jnp.float32),
            pltpu.SemaphoreType.DMA,
        ],
    )
    return f(h2, src2, tgt2, zer)



def _node_body(p_ref, w3_ref, b3_ref, o_ref):
    p = p_ref[...]
    aggp = (p[0] + p[2]) - (p[1] + p[3])
    w3 = w3_ref[...]
    b3 = b3_ref[...]
    ys = [_sig(jnp.dot(aggp[:, q * EH:(q + 1) * EH], w3,
                       preferred_element_type=jnp.float32) + b3)
          for q in range(4)]
    o_ref[...] = jnp.concatenate(ys, axis=1)


def _node_mlp(parts_p, w3p, b3r):
    bn4 = N // 4
    return pl.pallas_call(
        _node_body,
        grid=(1,),
        in_specs=[
            pl.BlockSpec((4, bn4, 128), lambda i: (0, i, 0)),
            pl.BlockSpec((EH, OUT_DIM), lambda i: (0, 0)),
            pl.BlockSpec((1, OUT_DIM), lambda i: (0, 0)),
        ],
        out_specs=pl.BlockSpec((bn4, 4 * OUT_DIM), lambda i: (i, 0)),
        out_shape=jax.ShapeDtypeStruct((N // 4, 4 * OUT_DIM), jnp.float32),
    )(parts_p, w3p, b3r)



def kernel(x, edge_w, edge_index, W1, b1, W2, b2, W3, b3):
    x2 = x[0].astype(jnp.float32)
    ewT = edge_w[0].T.astype(jnp.float32)
    ei = edge_index.astype(jnp.int32)
    src = ei[0]
    tgt = ei[1]

    w1a = W1[:IN_DIM]
    w1b = W1[IN_DIM:2 * IN_DIM]
    w1c = W1[2 * IN_DIM:]
    eye4 = jnp.eye(4, dtype=jnp.float32)
    b1t = jnp.tile(b1, 4).reshape(1, 128)
    w2p = jnp.zeros((EH, EH), jnp.float32).at[:, :W2.shape[1]].set(W2)
    b2p = jnp.zeros((EH,), jnp.float32).at[:b2.shape[0]].set(b2)
    w2_blk = jnp.kron(eye4, w2p)
    b2t = jnp.tile(b2p, 4).reshape(1, 128)
    w3p = jnp.zeros((EH, OUT_DIM), jnp.float32).at[:W3.shape[0]].set(W3)
    b3r = b3.reshape(1, OUT_DIM)
    zer = jnp.zeros((RPS, EH), jnp.float32)
    src3 = src.reshape(E // SCH, SCH)
    tgt3 = tgt.reshape(E // SCH, SCH)

    xa, xb = _proj(x2, w1a, w1b)
    ewc_p = _ewc(ewT, w1c)
    ga, gb = _gather(xa, xb, ei)
    h2_p = _edge_mlp(ga, gb, ewc_p, b1t, w2_blk, b2t)
    parts = _scatter(h2_p, src3, tgt3, zer)
    y_p = _node_mlp(parts.reshape(4, N // 4, 128), w3p, b3r)
    return y_p.reshape(N, OUT_DIM)[None]

# --- scband reference (transcript-rebuilt; emitter-appended) ---
"""Pipeline reference for scband-graph-gnn-13554916786314 (READ-ONLY COPY).

The authoritative reference and input builder live on the scoring server;
editing this copy changes nothing except your own understanding.
"""

import jax, jax.numpy as jnp
import numpy as np

B = 1
N = 10000
E = 320000
IN_DIM = 128
OUT_DIM = 128
E_H = 32
E_OUT = 30


def _uniform(k, shape, fan_in):
    s = 1.0 / np.sqrt(fan_in)
    return jax.random.uniform(k, shape, minval=-s, maxval=s, dtype=jnp.float32)


def setup_inputs(seed: int = 0) -> dict:
    key = jax.random.key(seed)
    ks = jax.random.split(key, 10)
    x = jax.random.normal(ks[0], (B, N, IN_DIM), dtype=jnp.float32)
    edge_w = jax.random.uniform(ks[1], (B, E, 3), dtype=jnp.float32)
    edge_index = jax.random.randint(ks[2], (2, E), 0, N, dtype=jnp.int64 if jax.config.jax_enable_x64 else jnp.int32)
    d_in1 = 2 * IN_DIM + 3
    W1 = _uniform(ks[3], (d_in1, E_H), d_in1)
    b1 = _uniform(ks[4], (E_H,), d_in1)
    W2 = _uniform(ks[5], (E_H, E_OUT), E_H)
    b2 = _uniform(ks[6], (E_OUT,), E_H)
    W3 = _uniform(ks[7], (E_OUT, OUT_DIM), E_OUT)
    b3 = _uniform(ks[8], (OUT_DIM,), E_OUT)
    return {"x": x, "edge_w": edge_w, "edge_index": edge_index,
            "W1": W1, "b1": b1, "W2": W2, "b2": b2, "W3": W3, "b3": b3}


def reference(x, edge_w, edge_index, W1, b1, W2, b2, W3, b3):
    edge_src = edge_index[0]
    edge_target = edge_index[1]
    node_src = jnp.take(x, edge_src, axis=1)      # [B, E, IN_DIM]  (gather)
    node_target = jnp.take(x, edge_target, axis=1)  # [B, E, IN_DIM]
    out = jnp.concatenate([node_src, node_target, edge_w], axis=-1)  # [B, E, 2*IN+3]
    # edge_mlp: Linear -> Sigmoid -> Linear -> Sigmoid
    h = jax.nn.sigmoid(out @ W1 + b1)
    h = jax.nn.sigmoid(h @ W2 + b2)  # [B, E, E_OUT]
    # scatter_add over dim=1 with dim_size = N
    out_add = jnp.zeros((B, N, E_OUT), dtype=h.dtype).at[:, edge_target, :].add(h)
    out_sub = jnp.zeros((B, N, E_OUT), dtype=h.dtype).at[:, edge_src, :].add(-h)
    agg = out_add + out_sub
    # node_mlp: Linear -> Sigmoid
    y = jax.nn.sigmoid(agg @ W3 + b3)  # [B, N, OUT_DIM]
    return y

if __name__ == "__main__":
    import jax
    _d = setup_inputs()
    print(jax.jit(kernel)(*tuple(_d.values())))

</pallas_src>

<mosaic_0001>
#map = affine_map<(d0, d1) -> (0, 0)>
module attributes {stable_mosaic.version = 14 : i64} {
  func.func @_gather_body(%arg0: i32, %arg1: i32, %arg2: memref<10000x32xf32, #tpu.memory_space<hbm>>, %arg3: memref<10000x32xf32, #tpu.memory_space<hbm>>, %arg4: memref<2x320000xi32, #tpu.memory_space<hbm>>, %arg5: memref<80000x128xf32, #tpu.memory_space<hbm>>, %arg6: memref<80000x128xf32, #tpu.memory_space<hbm>>, %arg7: memref<1000xi32, #tpu.memory_space<vmem>>, %arg8: memref<1000xi32, #tpu.memory_space<vmem>>, %arg9: memref<1000x32xf32, #tpu.memory_space<vmem>>, %arg10: memref<1000x32xf32, #tpu.memory_space<vmem>>, %arg11: memref<!tpu.dma_semaphore, #tpu.memory_space<semaphore_mem>>, %arg12: memref<!tpu.dma_semaphore, #tpu.memory_space<semaphore_mem>>) attributes {dimension_semantics = [#tpu.dimension_semantics<core_parallel>, #tpu.dimension_semantics<subcore_parallel>], iteration_bounds = array<i64: 2, 16>, scalar_prefetch = 0 : i64, scratch_operands = 6 : i64, tpu.core_type = #tpu.core_type<sc_vector_subcore>, window_params = [{transform_indices = #map}, {transform_indices = #map}, {transform_indices = #map}, {transform_indices = #map}, {transform_indices = #map}]} {
    %mul3A = arith.constant 16 : i32
    %mul3A_0 = arith.muli %arg0, %mul3A : i32
    %add3A = arith.addi %mul3A_0, %arg1 : i32
    %jit3A = arith.constant 8 : i32
    %div3A = arith.divsi %add3A, %jit3A : i32
    %sign3A = arith.constant 0 : i32
    %sign3A_1 = arith.cmpi sgt, %add3A, %sign3A : i32
    %sign3A_2 = arith.extui %sign3A_1 : i1 to i32
    %sign3A_3 = arith.constant 0 : i32
    %sign3A_4 = arith.cmpi slt, %add3A, %sign3A_3 : i32
    %sign3A_5 = arith.extui %sign3A_4 : i1 to i32
    %sign3A_6 = arith.subi %sign3A_2, %sign3A_5 : i32
    %sign3A_7 = arith.constant 0 : i32
    %sign3A_8 = arith.cmpi sgt, %jit3A, %sign3A_7 : i32
    %sign3A_9 = arith.extui %sign3A_8 : i1 to i32
    %sign3A_10 = arith.constant 0 : i32
    %sign3A_11 = arith.cmpi slt, %jit3A, %sign3A_10 : i32
    %sign3A_12 = arith.extui %sign3A_11 : i1 to i32
    %sign3A_13 = arith.subi %sign3A_9, %sign3A_12 : i32
    %ne3A = arith.cmpi ne, %sign3A_6, %sign3A_13 : i32
    %rem3A = arith.remsi %add3A, %jit3A : i32
    %ne3A_14 = arith.constant 0 : i32
    %ne3A_15 = arith.cmpi ne, %rem3A, %ne3A_14 : i32
    %and3A = arith.andi %ne3A, %ne3A_15 : i1
    %sub3A = arith.constant 1 : i32
    %sub3A_16 = arith.subi %div3A, %sub3A : i32
    %select_n3A = arith.select %and3A, %sub3A_16, %div3A : i32
    %jit3A_17 = arith.constant 8 : i32
    %eq3A = arith.constant 0 : i32
    %eq3A_18 = arith.cmpi eq, %jit3A_17, %eq3A : i32
    %jit3A_19 = arith.constant 1 : i32
    %select_n3A_20 = arith.select %eq3A_18, %jit3A_19, %jit3A_17 : i32
    %rem3A_21 = arith.remsi %add3A, %select_n3A_20 : i32
    %ne3A_22 = arith.constant 0 : i32
    %ne3A_23 = arith.cmpi ne, %rem3A_21, %ne3A_22 : i32
    %lt3A = arith.constant 0 : i32
    %lt3A_24 = arith.cmpi slt, %rem3A_21, %lt3A : i32
    %lt3A_25 = arith.constant 0 : i32
    %lt3A_26 = arith.cmpi slt, %select_n3A_20, %lt3A_25 : i32
    %ne3A_27 = arith.xori %lt3A_24, %lt3A_26 : i1
    %and3A_28 = arith.andi %ne3A_27, %ne3A_23 : i1
    %add3A_29 = arith.addi %rem3A_21, %select_n3A_20 : i32
    %select_n3A_30 = arith.select %and3A_28, %add3A_29, %rem3A_21 : i32
    %mul3A_31 = arith.constant 10000 : i32
    %mul3A_32 = arith.muli %select_n3A_30, %mul3A_31 : i32
    %scan3A = arith.constant 0 : i32
    %scan3A_33 = arith.constant 0 : i32
    %scan3A_34 = arith.constant 10 : i32
    %scan3A_35 = arith.addi %scan3A_33, %scan3A_34 : i32
    %scan3A_36 = arith.constant 1 : i32
    scf.for %scan3A_49 = %scan3A_33 to %scan3A_35 step %scan3A_36  : i32 {
      %mul3A_50 = arith.constant 10000 : i32
      %mul3A_51 = arith.muli %add3A, %mul3A_50 : i32
      %mul3A_52 = arith.constant 1000 : i32
      %mul3A_53 = arith.muli %scan3A_49, %mul3A_52 : i32
      %add3A_54 = arith.addi %mul3A_51, %mul3A_53 : i32
      %mul3A_55 = arith.constant 1000 : i32
      %mul3A_56 = arith.muli %scan3A_49, %mul3A_55 : i32
      %add3A_57 = arith.addi %mul3A_32, %mul3A_56 : i32
      %gt3A = arith.constant 0 : i32
      %gt3A_58 = arith.cmpi sgt, %scan3A_49, %gt3A : i32
      %convert_element_type3A = arith.extui %gt3A_58 : i1 to i32
      %cond3A = arith.constant 0 : i32
      %cond3A_59 = arith.cmpi ne, %convert_element_type3A, %cond3A : i32
      scf.if %cond3A_59 {
        %dma_wait3A_98 = arith.constant 0 : i32
        %dma_wait3A_99 = arith.constant 0 : i32
        %dma_wait3A_100 = tpu.memref_slice %arg2[%dma_wait3A_98, %dma_wait3A_99] : memref<10000x32xf32, #tpu.memory_space<hbm>> -> memref<1000x32xf32, #tpu.memory_space<hbm>>
        %dma_wait3A_101 = arith.constant 0 : i32
        %dma_wait3A_102 = arith.constant 0 : i32
        %dma_wait3A_103 = tpu.memref_slice %arg2[%dma_wait3A_101, %dma_wait3A_102] : memref<10000x32xf32, #tpu.memory_space<hbm>> -> memref<1000x32xf32, #tpu.memory_space<hbm>>
        tpu.wait_dma2 semaphore(%arg12 : memref<!tpu.dma_semaphore, #tpu.memory_space<semaphore_mem>>) src(%dma_wait3A_103 : memref<1000x32xf32, #tpu.memory_space<hbm>>) dst(%arg9 : memref<1000x32xf32, #tpu.memory_space<vmem>>)
        %dma_wait3A_104 = arith.constant 0 : i32
        %dma_wait3A_105 = arith.constant 0 : i32
        %dma_wait3A_106 = tpu.memref_slice %arg2[%dma_wait3A_104, %dma_wait3A_105] : memref<10000x32xf32, #tpu.memory_space<hbm>> -> memref<1000x32xf32, #tpu.memory_space<hbm>>
        %dma_wait3A_107 = arith.constant 0 : i32
        %dma_wait3A_108 = arith.constant 0 : i32
        %dma_wait3A_109 = tpu.memref_slice %arg2[%dma_wait3A_107, %dma_wait3A_108] : memref<10000x32xf32, #tpu.memory_space<hbm>> -> memref<1000x32xf32, #tpu.memory_space<hbm>>
        tpu.wait_dma2 semaphore(%arg12 : memref<!tpu.dma_semaphore, #tpu.memory_space<semaphore_mem>>) src(%dma_wait3A_109 : memref<1000x32xf32, #tpu.memory_space<hbm>>) dst(%arg10 : memref<1000x32xf32, #tpu.memory_space<vmem>>)
      } else {
      }
      %run_scoped3A = arith.constant 0 : i32
      "tpu.region"() ({
        %run_scoped3A_98 = tpu.sem_alloc : memref<!tpu.dma_semaphore, #tpu.memory_space<semaphore_mem>>
        %dma_start3A_99 = tpu.memref_slice %arg4[%run_scoped3A, %add3A_54] : memref<2x320000xi32, #tpu.memory_space<hbm>> -> memref<1x1000xi32, #tpu.memory_space<hbm>>
        %dma_start3A_100 = tpu.memref_squeeze %dma_start3A_99 : memref<1x1000xi32, #tpu.memory_space<hbm>> -> memref<1000xi32, #tpu.memory_space<hbm>>
        %dma_start3A_101 = tpu.memref_slice %arg4[%run_scoped3A, %add3A_54] : memref<2x320000xi32, #tpu.memory_space<hbm>> -> memref<1x1000xi32, #tpu.memory_space<hbm>>
        %dma_start3A_102 = tpu.memref_squeeze %dma_start3A_101 : memref<1x1000xi32, #tpu.memory_space<hbm>> -> memref<1000xi32, #tpu.memory_space<hbm>>
        tpu.enqueue_dma source(%dma_start3A_102 : memref<1000xi32, #tpu.memory_space<hbm>>) target(%arg7 : memref<1000xi32, #tpu.memory_space<vmem>>) target_semaphore(%run_scoped3A_98 : memref<!tpu.dma_semaphore, #tpu.memory_space<semaphore_mem>>)
        %dma_wait3A_103 = tpu.memref_slice %arg4[%run_scoped3A, %add3A_54] : memref<2x320000xi32, #tpu.memory_space<hbm>> -> memref<1x1000xi32, #tpu.memory_space<hbm>>
        %dma_wait3A_104 = tpu.memref_squeeze %dma_wait3A_103 : memref<1x1000xi32, #tpu.memory_space<hbm>> -> memref<1000xi32, #tpu.memory_space<hbm>>
        %dma_wait3A_105 = tpu.memref_slice %arg4[%run_scoped3A, %add3A_54] : memref<2x320000xi32, #tpu.memory_space<hbm>> -> memref<1x1000xi32, #tpu.memory_space<hbm>>
        %dma_wait3A_106 = tpu.memref_squeeze %dma_wait3A_105 : memref<1x1000xi32, #tpu.memory_space<hbm>> -> memref<1000xi32, #tpu.memory_space<hbm>>
        tpu.wait_dma2 semaphore(%run_scoped3A_98 : memref<!tpu.dma_semaphore, #tpu.memory_space<semaphore_mem>>) src(%dma_wait3A_106 : memref<1000xi32, #tpu.memory_space<hbm>>) dst(%arg7 : memref<1000xi32, #tpu.memory_space<vmem>>)
        tpu.yield
      }) : () -> ()
      %run_scoped3A_60 = arith.constant 1 : i32
      "tpu.region"() ({
        %run_scoped3A_98 = tpu.sem_alloc : memref<!tpu.dma_semaphore, #tpu.memory_space<semaphore_mem>>
        %dma_start3A_99 = tpu.memref_slice %arg4[%run_scoped3A_60, %add3A_54] : memref<2x320000xi32, #tpu.memory_space<hbm>> -> memref<1x1000xi32, #tpu.memory_space<hbm>>
        %dma_start3A_100 = tpu.memref_squeeze %dma_start3A_99 : memref<1x1000xi32, #tpu.memory_space<hbm>> -> memref<1000xi32, #tpu.memory_space<hbm>>
        %dma_start3A_101 = tpu.memref_slice %arg4[%run_scoped3A_60, %add3A_54] : memref<2x320000xi32, #tpu.memory_space<hbm>> -> memref<1x1000xi32, #tpu.memory_space<hbm>>
        %dma_start3A_102 = tpu.memref_squeeze %dma_start3A_101 : memref<1x1000xi32, #tpu.memory_space<hbm>> -> memref<1000xi32, #tpu.memory_space<hbm>>
        tpu.enqueue_dma source(%dma_start3A_102 : memref<1000xi32, #tpu.memory_space<hbm>>) target(%arg8 : memref<1000xi32, #tpu.memory_space<vmem>>) target_semaphore(%run_scoped3A_98 : memref<!tpu.dma_semaphore, #tpu.memory_space<semaphore_mem>>)
        %dma_wait3A_103 = tpu.memref_slice %arg4[%run_scoped3A_60, %add3A_54] : memref<2x320000xi32, #tpu.memory_space<hbm>> -> memref<1x1000xi32, #tpu.memory_space<hbm>>
        %dma_wait3A_104 = tpu.memref_squeeze %dma_wait3A_103 : memref<1x1000xi32, #tpu.memory_space<hbm>> -> memref<1000xi32, #tpu.memory_space<hbm>>
        %dma_wait3A_105 = tpu.memref_slice %arg4[%run_scoped3A_60, %add3A_54] : memref<2x320000xi32, #tpu.memory_space<hbm>> -> memref<1x1000xi32, #tpu.memory_space<hbm>>
        %dma_wait3A_106 = tpu.memref_squeeze %dma_wait3A_105 : memref<1x1000xi32, #tpu.memory_space<hbm>> -> memref<1000xi32, #tpu.memory_space<hbm>>
        tpu.wait_dma2 semaphore(%run_scoped3A_98 : memref<!tpu.dma_semaphore, #tpu.memory_space<semaphore_mem>>) src(%dma_wait3A_106 : memref<1000xi32, #tpu.memory_space<hbm>>) dst(%arg8 : memref<1000xi32, #tpu.memory_space<vmem>>)
        tpu.yield
      }) : () -> ()
      %scan3A_61 = arith.constant 0 : i32
      %scan3A_62 = arith.constant 0 : i32
      %scan3A_63 = arith.constant 5 : i32
      %scan3A_64 = arith.addi %scan3A_62, %scan3A_63 : i32
      %scan3A_65 = arith.constant 1 : i32
      scf.for %scan3A_98 = %scan3A_62 to %scan3A_64 step %scan3A_65  : i32 {
        %mul3A_99 = arith.constant 5 : i32
        %mul3A_100 = arith.muli %scan3A_98, %mul3A_99 : i32
        %add3A_101 = arith.constant 0 : i32
        %add3A_102 = arith.addi %mul3A_100, %add3A_101 : i32
        %mul3A_103 = arith.constant 40 : i32
        %mul3A_104 = arith.muli %add3A_102, %mul3A_103 : i32
        %mul3A_105 = arith.constant 40 : i32
        %mul3A_106 = arith.muli %add3A_102, %mul3A_105 : i32
        %dma_start3A_107 = arith.constant 0 : i32
        %dma_start3A_108 = tpu.memref_slice %arg9[%mul3A_106, %dma_start3A_107] : memref<1000x32xf32, #tpu.memory_space<vmem>> -> memref<40x32xf32, #tpu.memory_space<vmem>>
        %dma_start3A_109 = tpu.memref_slice %arg7[%mul3A_104] : memref<1000xi32, #tpu.memory_space<vmem>> -> memref<40xi32, #tpu.memory_space<vmem>>
        %dma_start3A_110 = arith.constant 0 : i32
        %dma_start3A_111 = arith.constant 0 : i32
        %dma_start3A_112 = tpu.memref_slice %arg2[%dma_start3A_110, %dma_start3A_111] : memref<10000x32xf32, #tpu.memory_space<hbm>> -> memref<10000x32xf32, #tpu.memory_space<hbm>>
        tpu.enqueue_indirect_dma source(%dma_start3A_112 : memref<10000x32xf32, #tpu.memory_space<hbm>>) target(%dma_start3A_108 : memref<40x32xf32, #tpu.memory_space<vmem>>) offsets(%dma_start3A_109 : memref<40xi32, #tpu.memory_space<vmem>>) semaphore(%arg11 : memref<!tpu.dma_semaphore, #tpu.memory_space<semaphore_mem>>)
        %mul3A_113 = arith.constant 40 : i32
        %mul3A_114 = arith.muli %add3A_102, %mul3A_113 : i32
        %mul3A_115 = arith.constant 40 : i32
        %mul3A_116 = arith.muli %add3A_102, %mul3A_115 : i32
        %dma_start3A_117 = arith.constant 0 : i32
        %dma_start3A_118 = tpu.memref_slice %arg10[%mul3A_116, %dma_start3A_117] : memref<1000x32xf32, #tpu.memory_space<vmem>> -> memref<40x32xf32, #tpu.memory_space<vmem>>
        %dma_start3A_119 = tpu.memref_slice %arg8[%mul3A_114] : memref<1000xi32, #tpu.memory_space<vmem>> -> memref<40xi32, #tpu.memory_space<vmem>>
        %dma_start3A_120 = arith.constant 0 : i32
        %dma_start3A_121 = arith.constant 0 : i32
        %dma_start3A_122 = tpu.memref_slice %arg3[%dma_start3A_120, %dma_start3A_121] : memref<10000x32xf32, #tpu.memory_space<hbm>> -> memref<10000x32xf32, #tpu.memory_space<hbm>>
        tpu.enqueue_indirect_dma source(%dma_start3A_122 : memref<10000x32xf32, #tpu.memory_space<hbm>>) target(%dma_start3A_118 : memref<40x32xf32, #tpu.memory_space<vmem>>) offsets(%dma_start3A_119 : memref<40xi32, #tpu.memory_space<vmem>>) semaphore(%arg11 : memref<!tpu.dma_semaphore, #tpu.memory_space<semaphore_mem>>)
        %mul3A_123 = arith.constant 5 : i32
        %mul3A_124 = arith.muli %scan3A_98, %mul3A_123 : i32
        %add3A_125 = arith.constant 1 : i32
        %add3A_126 = arith.addi %mul3A_124, %add3A_125 : i32
        %mul3A_127 = arith.constant 40 : i32
        %mul3A_128 = arith.muli %add3A_126, %mul3A_127 : i32
        %mul3A_129 = arith.constant 40 : i32
        %mul3A_130 = arith.muli %add3A_126, %mul3A_129 : i32
        %dma_start3A_131 = arith.constant 0 : i32
        %dma_start3A_132 = tpu.memref_slice %arg9[%mul3A_130, %dma_start3A_131] : memref<1000x32xf32, #tpu.memory_space<vmem>> -> memref<40x32xf32, #tpu.memory_space<vmem>>
        %dma_start3A_133 = tpu.memref_slice %arg7[%mul3A_128] : memref<1000xi32, #tpu.memory_space<vmem>> -> memref<40xi32, #tpu.memory_space<vmem>>
        %dma_start3A_134 = arith.constant 0 : i32
        %dma_start3A_135 = arith.constant 0 : i32
        %dma_start3A_136 = tpu.memref_slice %arg2[%dma_start3A_134, %dma_start3A_135] : memref<10000x32xf32, #tpu.memory_space<hbm>> -> memref<10000x32xf32, #tpu.memory_space<hbm>>
        tpu.enqueue_indirect_dma source(%dma_start3A_136 : memref<10000x32xf32, #tpu.memory_space<hbm>>) target(%dma_start3A_132 : memref<40x32xf32, #tpu.memory_space<vmem>>) offsets(%dma_start3A_133 : memref<40xi32, #tpu.memory_space<vmem>>) semaphore(%arg11 : memref<!tpu.dma_semaphore, #tpu.memory_space<semaphore_mem>>)
        %mul3A_137 = arith.constant 40 : i32
        %mul3A_138 = arith.muli %add3A_126, %mul3A_137 : i32
        %mul3A_139 = arith.constant 40 : i32
        %mul3A_140 = arith.muli %add3A_126, %mul3A_139 : i32
        %dma_start3A_141 = arith.constant 0 : i32
        %dma_start3A_142 = tpu.memref_slice %arg10[%mul3A_140, %dma_start3A_141] : memref<1000x32xf32, #tpu.memory_space<vmem>> -> memref<40x32xf32, #tpu.memory_space<vmem>>
        %dma_start3A_143 = tpu.memref_slice %arg8[%mul3A_138] : memref<1000xi32, #tpu.memory_space<vmem>> -> memref<40xi32, #tpu.memory_space<vmem>>
        %dma_start3A_144 = arith.constant 0 : i32
        %dma_start3A_145 = arith.constant 0 : i32
        %dma_start3A_146 = tpu.memref_slice %arg3[%dma_start3A_144, %dma_start3A_145] : memref<10000x32xf32, #tpu.memory_space<hbm>> -> memref<10000x32xf32, #tpu.memory_space<hbm>>
        tpu.enqueue_indirect_dma source(%dma_start3A_146 : memref<10000x32xf32, #tpu.memory_space<hbm>>) target(%dma_start3A_142 : memref<40x32xf32, #tpu.memory_space<vmem>>) offsets(%dma_start3A_143 : memref<40xi32, #tpu.memory_space<vmem>>) semaphore(%arg11 : memref<!tpu.dma_semaphore, #tpu.memory_space<semaphore_mem>>)
        %mul3A_147 = arith.constant 5 : i32
        %mul3A_148 = arith.muli %scan3A_98, %mul3A_147 : i32
        %add3A_149 = arith.constant 2 : i32
        %add3A_150 = arith.addi %mul3A_148, %add3A_149 : i32
        %mul3A_151 = arith.constant 40 : i32
        %mul3A_152 = arith.muli %add3A_150, %mul3A_151 : i32
        %mul3A_153 = arith.constant 40 : i32
        %mul3A_154 = arith.muli %add3A_150, %mul3A_153 : i32
        %dma_start3A_155 = arith.constant 0 : i32
        %dma_start3A_156 = tpu.memref_slice %arg9[%mul3A_154, %dma_start3A_155] : memref<1000x32xf32, #tpu.memory_space<vmem>> -> memref<40x32xf32, #tpu.memory_space<vmem>>
        %dma_start3A_157 = tpu.memref_slice %arg7[%mul3A_152] : memref<1000xi32, #tpu.memory_space<vmem>> -> memref<40xi32, #tpu.memory_space<vmem>>
        %dma_start3A_158 = arith.constant 0 : i32
        %dma_start3A_159 = arith.constant 0 : i32
        %dma_start3A_160 = tpu.memref_slice %arg2[%dma_start3A_158, %dma_start3A_159] : memref<10000x32xf32, #tpu.memory_space<hbm>> -> memref<10000x32xf32, #tpu.memory_space<hbm>>
        tpu.enqueue_indirect_dma source(%dma_start3A_160 : memref<10000x32xf32, #tpu.memory_space<hbm>>) target(%dma_start3A_156 : memref<40x32xf32, #tpu.memory_space<vmem>>) offsets(%dma_start3A_157 : memref<40xi32, #tpu.memory_space<vmem>>) semaphore(%arg11 : memref<!tpu.dma_semaphore, #tpu.memory_space<semaphore_mem>>)
        %mul3A_161 = arith.constant 40 : i32
        %mul3A_162 = arith.muli %add3A_150, %mul3A_161 : i32
        %mul3A_163 = arith.constant 40 : i32
        %mul3A_164 = arith.muli %add3A_150, %mul3A_163 : i32
        %dma_start3A_165 = arith.constant 0 : i32
        %dma_start3A_166 = tpu.memref_slice %arg10[%mul3A_164, %dma_start3A_165] : memref<1000x32xf32, #tpu.memory_space<vmem>> -> memref<40x32xf32, #tpu.memory_space<vmem>>
        %dma_start3A_167 = tpu.memref_slice %arg8[%mul3A_162] : memref<1000xi32, #tpu.memory_space<vmem>> -> memref<40xi32, #tpu.memory_space<vmem>>
        %dma_start3A_168 = arith.constant 0 : i32
        %dma_start3A_169 = arith.constant 0 : i32
        %dma_start3A_170 = tpu.memref_slice %arg3[%dma_start3A_168, %dma_start3A_169] : memref<10000x32xf32, #tpu.memory_space<hbm>> -> memref<10000x32xf32, #tpu.memory_space<hbm>>
        tpu.enqueue_indirect_dma source(%dma_start3A_170 : memref<10000x32xf32, #tpu.memory_space<hbm>>) target(%dma_start3A_166 : memref<40x32xf32, #tpu.memory_space<vmem>>) offsets(%dma_start3A_167 : memref<40xi32, #tpu.memory_space<vmem>>) semaphore(%arg11 : memref<!tpu.dma_semaphore, #tpu.memory_space<semaphore_mem>>)
        %mul3A_171 = arith.constant 5 : i32
        %mul3A_172 = arith.muli %scan3A_98, %mul3A_171 : i32
        %add3A_173 = arith.constant 3 : i32
        %add3A_174 = arith.addi %mul3A_172, %add3A_173 : i32
        %mul3A_175 = arith.constant 40 : i32
        %mul3A_176 = arith.muli %add3A_174, %mul3A_175 : i32
        %mul3A_177 = arith.constant 40 : i32
        %mul3A_178 = arith.muli %add3A_174, %mul3A_177 : i32
        %dma_start3A_179 = arith.constant 0 : i32
        %dma_start3A_180 = tpu.memref_slice %arg9[%mul3A_178, %dma_start3A_179] : memref<1000x32xf32, #tpu.memory_space<vmem>> -> memref<40x32xf32, #tpu.memory_space<vmem>>
        %dma_start3A_181 = tpu.memref_slice %arg7[%mul3A_176] : memref<1000xi32, #tpu.memory_space<vmem>> -> memref<40xi32, #tpu.memory_space<vmem>>
        %dma_start3A_182 = arith.constant 0 : i32
        %dma_start3A_183 = arith.constant 0 : i32
        %dma_start3A_184 = tpu.memref_slice %arg2[%dma_start3A_182, %dma_start3A_183] : memref<10000x32xf32, #tpu.memory_space<hbm>> -> memref<10000x32xf32, #tpu.memory_space<hbm>>
        tpu.enqueue_indirect_dma source(%dma_start3A_184 : memref<10000x32xf32, #tpu.memory_space<hbm>>) target(%dma_start3A_180 : memref<40x32xf32, #tpu.memory_space<vmem>>) offsets(%dma_start3A_181 : memref<40xi32, #tpu.memory_space<vmem>>) semaphore(%arg11 : memref<!tpu.dma_semaphore, #tpu.memory_space<semaphore_mem>>)
        %mul3A_185 = arith.constant 40 : i32
        %mul3A_186 = arith.muli %add3A_174, %mul3A_185 : i32
        %mul3A_187 = arith.constant 40 : i32
        %mul3A_188 = arith.muli %add3A_174, %mul3A_187 : i32
        %dma_start3A_189 = arith.constant 0 : i32
        %dma_start3A_190 = tpu.memref_slice %arg10[%mul3A_188, %dma_start3A_189] : memref<1000x32xf32, #tpu.memory_space<vmem>> -> memref<40x32xf32, #tpu.memory_space<vmem>>
        %dma_start3A_191 = tpu.memref_slice %arg8[%mul3A_186] : memref<1000xi32, #tpu.memory_space<vmem>> -> memref<40xi32, #tpu.memory_space<vmem>>
        %dma_start3A_192 = arith.constant 0 : i32
        %dma_start3A_193 = arith.constant 0 : i32
        %dma_start3A_194 = tpu.memref_slice %arg3[%dma_start3A_192, %dma_start3A_193] : memref<10000x32xf32, #tpu.memory_space<hbm>> -> memref<10000x32xf32, #tpu.memory_space<hbm>>
        tpu.enqueue_indirect_dma source(%dma_start3A_194 : memref<10000x32xf32, #tpu.memory_space<hbm>>) target(%dma_start3A_190 : memref<40x32xf32, #tpu.memory_space<vmem>>) offsets(%dma_start3A_191 : memref<40xi32, #tpu.memory_space<vmem>>) semaphore(%arg11 : memref<!tpu.dma_semaphore, #tpu.memory_space<semaphore_mem>>)
        %mul3A_195 = arith.constant 5 : i32
        %mul3A_196 = arith.muli %scan3A_98, %mul3A_195 : i32
        %add3A_197 = arith.constant 4 : i32
        %add3A_198 = arith.addi %mul3A_196, %add3A_197 : i32
        %mul3A_199 = arith.constant 40 : i32
        %mul3A_200 = arith.muli %add3A_198, %mul3A_199 : i32
        %mul3A_201 = arith.constant 40 : i32
        %mul3A_202 = arith.muli %add3A_198, %mul3A_201 : i32
        %dma_start3A_203 = arith.constant 0 : i32
        %dma_start3A_204 = tpu.memref_slice %arg9[%mul3A_202, %dma_start3A_203] : memref<1000x32xf32, #tpu.memory_space<vmem>> -> memref<40x32xf32, #tpu.memory_space<vmem>>
        %dma_start3A_205 = tpu.memref_slice %arg7[%mul3A_200] : memref<1000xi32, #tpu.memory_space<vmem>> -> memref<40xi32, #tpu.memory_space<vmem>>
        %dma_start3A_206 = arith.constant 0 : i32
        %dma_start3A_207 = arith.constant 0 : i32
        %dma_start3A_208 = tpu.memref_slice %arg2[%dma_start3A_206, %dma_start3A_207] : memref<10000x32xf32, #tpu.memory_space<hbm>> -> memref<10000x32xf32, #tpu.memory_space<hbm>>
        tpu.enqueue_indirect_dma source(%dma_start3A_208 : memref<10000x32xf32, #tpu.memory_space<hbm>>) target(%dma_start3A_204 : memref<40x32xf32, #tpu.memory_space<vmem>>) offsets(%dma_start3A_205 : memref<40xi32, #tpu.memory_space<vmem>>) semaphore(%arg11 : memref<!tpu.dma_semaphore, #tpu.memory_space<semaphore_mem>>)
        %mul3A_209 = arith.constant 40 : i32
        %mul3A_210 = arith.muli %add3A_198, %mul3A_209 : i32
        %mul3A_211 = arith.constant 40 : i32
        %mul3A_212 = arith.muli %add3A_198, %mul3A_211 : i32
        %dma_start3A_213 = arith.constant 0 : i32
        %dma_start3A_214 = tpu.memref_slice %arg10[%mul3A_212, %dma_start3A_213] : memref<1000x32xf32, #tpu.memory_space<vmem>> -> memref<40x32xf32, #tpu.memory_space<vmem>>
        %dma_start3A_215 = tpu.memref_slice %arg8[%mul3A_210] : memref<1000xi32, #tpu.memory_space<vmem>> -> memref<40xi32, #tpu.memory_space<vmem>>
        %dma_start3A_216 = arith.constant 0 : i32
        %dma_start3A_217 = arith.constant 0 : i32
        %dma_start3A_218 = tpu.memref_slice %arg3[%dma_start3A_216, %dma_start3A_217] : memref<10000x32xf32, #tpu.memory_space<hbm>> -> memref<10000x32xf32, #tpu.memory_space<hbm>>
        tpu.enqueue_indirect_dma source(%dma_start3A_218 : memref<10000x32xf32, #tpu.memory_space<hbm>>) target(%dma_start3A_214 : memref<40x32xf32, #tpu.memory_space<vmem>>) offsets(%dma_start3A_215 : memref<40xi32, #tpu.memory_space<vmem>>) semaphore(%arg11 : memref<!tpu.dma_semaphore, #tpu.memory_space<semaphore_mem>>)
        %gt3A_219 = arith.constant 0 : i32
        %gt3A_220 = arith.cmpi sgt, %scan3A_98, %gt3A_219 : i32
        %convert_element_type3A_221 = arith.extui %gt3A_220 : i1 to i32
        %cond3A_222 = arith.constant 0 : i32
        %cond3A_223 = arith.cmpi ne, %convert_element_type3A_221, %cond3A_222 : i32
        scf.if %cond3A_223 {
          %sub3A_224 = arith.constant 1 : i32
          %sub3A_225 = arith.subi %scan3A_98, %sub3A_224 : i32
          %mul3A_226 = arith.constant 5 : i32
          %mul3A_227 = arith.muli %sub3A_225, %mul3A_226 : i32
          %mul3A_228 = arith.constant 40 : i32
          %mul3A_229 = arith.muli %mul3A_227, %mul3A_228 : i32
          %dma_wait3A_230 = arith.constant 0 : i32
          %dma_wait3A_231 = tpu.memref_slice %arg9[%mul3A_229, %dma_wait3A_230] : memref<1000x32xf32, #tpu.memory_space<vmem>> -> memref<200x32xf32, #tpu.memory_space<vmem>>
          %dma_wait3A_232 = arith.constant 0 : i32
          %dma_wait3A_233 = arith.constant 0 : i32
          %dma_wait3A_234 = tpu.memref_slice %arg2[%dma_wait3A_232, %dma_wait3A_233] : memref<10000x32xf32, #tpu.memory_space<hbm>> -> memref<200x32xf32, #tpu.memory_space<hbm>>
          %dma_wait3A_235 = arith.constant 0 : i32
          %dma_wait3A_236 = tpu.memref_slice %arg9[%mul3A_229, %dma_wait3A_235] : memref<1000x32xf32, #tpu.memory_space<vmem>> -> memref<200x32xf32, #tpu.memory_space<vmem>>
          %dma_wait3A_237 = arith.constant 0 : i32
          %dma_wait3A_238 = arith.constant 0 : i32
          %dma_wait3A_239 = tpu.memref_slice %arg2[%dma_wait3A_237, %dma_wait3A_238] : memref<10000x32xf32, #tpu.memory_space<hbm>> -> memref<200x32xf32, #tpu.memory_space<hbm>>
          tpu.wait_dma2 semaphore(%arg11 : memref<!tpu.dma_semaphore, #tpu.memory_space<semaphore_mem>>) src(%dma_wait3A_239 : memref<200x32xf32, #tpu.memory_space<hbm>>) dst(%dma_wait3A_236 : memref<200x32xf32, #tpu.memory_space<vmem>>)
          %sub3A_240 = arith.constant 1 : i32
          %sub3A_241 = arith.subi %scan3A_98, %sub3A_240 : i32
          %mul3A_242 = arith.constant 5 : i32
          %mul3A_243 = arith.muli %sub3A_241, %mul3A_242 : i32
          %mul3A_244 = arith.constant 40 : i32
          %mul3A_245 = arith.muli %mul3A_243, %mul3A_244 : i32
          %dma_wait3A_246 = arith.constant 0 : i32
          %dma_wait3A_247 = tpu.memref_slice %arg10[%mul3A_245, %dma_wait3A_246] : memref<1000x32xf32, #tpu.memory_space<vmem>> -> memref<200x32xf32, #tpu.memory_space<vmem>>
          %dma_wait3A_248 = arith.constant 0 : i32
          %dma_wait3A_249 = arith.constant 0 : i32
          %dma_wait3A_250 = tpu.memref_slice %arg2[%dma_wait3A_248, %dma_wait3A_249] : memref<10000x32xf32, #tpu.memory_space<hbm>> -> memref<200x32xf32, #tpu.memory_space<hbm>>
          %dma_wait3A_251 = arith.constant 0 : i32
          %dma_wait3A_252 = tpu.memref_slice %arg10[%mul3A_245, %dma_wait3A_251] : memref<1000x32xf32, #tpu.memory_space<vmem>> -> memref<200x32xf32, #tpu.memory_space<vmem>>
          %dma_wait3A_253 = arith.constant 0 : i32
          %dma_wait3A_254 = arith.constant 0 : i32
          %dma_wait3A_255 = tpu.memref_slice %arg2[%dma_wait3A_253, %dma_wait3A_254] : memref<10000x32xf32, #tpu.memory_space<hbm>> -> memref<200x32xf32, #tpu.memory_space<hbm>>
          tpu.wait_dma2 semaphore(%arg11 : memref<!tpu.dma_semaphore, #tpu.memory_space<semaphore_mem>>) src(%dma_wait3A_255 : memref<200x32xf32, #tpu.memory_space<hbm>>) dst(%dma_wait3A_252 : memref<200x32xf32, #tpu.memory_space<vmem>>)
        } else {
        }
      }
      %scan3A_66 = arith.constant 5 : i32
      %dma_wait3A_67 = arith.constant 800 : i32
      %dma_wait3A_68 = arith.constant 0 : i32
      %dma_wait3A_69 = tpu.memref_slice %arg9[%dma_wait3A_67, %dma_wait3A_68] : memref<1000x32xf32, #tpu.memory_space<vmem>> -> memref<200x32xf32, #tpu.memory_space<vmem>>
      %dma_wait3A_70 = arith.constant 0 : i32
      %dma_wait3A_71 = arith.constant 0 : i32
      %dma_wait3A_72 = tpu.memref_slice %arg2[%dma_wait3A_70, %dma_wait3A_71] : memref<10000x32xf32, #tpu.memory_space<hbm>> -> memref<200x32xf32, #tpu.memory_space<hbm>>
      %dma_wait3A_73 = arith.constant 800 : i32
      %dma_wait3A_74 = arith.constant 0 : i32
      %dma_wait3A_75 = tpu.memref_slice %arg9[%dma_wait3A_73, %dma_wait3A_74] : memref<1000x32xf32, #tpu.memory_space<vmem>> -> memref<200x32xf32, #tpu.memory_space<vmem>>
      %dma_wait3A_76 = arith.constant 0 : i32
      %dma_wait3A_77 = arith.constant 0 : i32
      %dma_wait3A_78 = tpu.memref_slice %arg2[%dma_wait3A_76, %dma_wait3A_77] : memref<10000x32xf32, #tpu.memory_space<hbm>> -> memref<200x32xf32, #tpu.memory_space<hbm>>
      tpu.wait_dma2 semaphore(%arg11 : memref<!tpu.dma_semaphore, #tpu.memory_space<semaphore_mem>>) src(%dma_wait3A_78 : memref<200x32xf32, #tpu.memory_space<hbm>>) dst(%dma_wait3A_75 : memref<200x32xf32, #tpu.memory_space<vmem>>)
      %dma_wait3A_79 = arith.constant 800 : i32
      %dma_wait3A_80 = arith.constant 0 : i32
      %dma_wait3A_81 = tpu.memref_slice %arg10[%dma_wait3A_79, %dma_wait3A_80] : memref<1000x32xf32, #tpu.memory_space<vmem>> -> memref<200x32xf32, #tpu.memory_space<vmem>>
      %dma_wait3A_82 = arith.constant 0 : i32
      %dma_wait3A_83 = arith.constant 0 : i32
      %dma_wait3A_84 = tpu.memref_slice %arg2[%dma_wait3A_82, %dma_wait3A_83] : memref<10000x32xf32, #tpu.memory_space<hbm>> -> memref<200x32xf32, #tpu.memory_space<hbm>>
      %dma_wait3A_85 = arith.constant 800 : i32
      %dma_wait3A_86 = arith.constant 0 : i32
      %dma_wait3A_87 = tpu.memref_slice %arg10[%dma_wait3A_85, %dma_wait3A_86] : memref<1000x32xf32, #tpu.memory_space<vmem>> -> memref<200x32xf32, #tpu.memory_space<vmem>>
      %dma_wait3A_88 = arith.constant 0 : i32
      %dma_wait3A_89 = arith.constant 0 : i32
      %dma_wait3A_90 = tpu.memref_slice %arg2[%dma_wait3A_88, %dma_wait3A_89] : memref<10000x32xf32, #tpu.memory_space<hbm>> -> memref<200x32xf32, #tpu.memory_space<hbm>>
      tpu.wait_dma2 semaphore(%arg11 : memref<!tpu.dma_semaphore, #tpu.memory_space<semaphore_mem>>) src(%dma_wait3A_90 : memref<200x32xf32, #tpu.memory_space<hbm>>) dst(%dma_wait3A_87 : memref<200x32xf32, #tpu.memory_space<vmem>>)
      %mul3A_91 = arith.constant 32 : i32
      %mul3A_92 = arith.muli %mul3A_91, %select_n3A : i32
      %dma_start3A = tpu.memref_slice %arg5[%add3A_57, %mul3A_92] : memref<80000x128xf32, #tpu.memory_space<hbm>> -> memref<1000x32xf32, #tpu.memory_space<hbm>>
      %dma_start3A_93 = tpu.memref_slice %arg5[%add3A_57, %mul3A_92] : memref<80000x128xf32, #tpu.memory_space<hbm>> -> memref<1000x32xf32, #tpu.memory_space<hbm>>
      tpu.enqueue_dma source(%arg9 : memref<1000x32xf32, #tpu.memory_space<vmem>>) target(%dma_start3A_93 : memref<1000x32xf32, #tpu.memory_space<hbm>>) target_semaphore(%arg12 : memref<!tpu.dma_semaphore, #tpu.memory_space<semaphore_mem>>)
      %mul3A_94 = arith.constant 32 : i32
      %mul3A_95 = arith.muli %mul3A_94, %select_n3A : i32
      %dma_start3A_96 = tpu.memref_slice %arg6[%add3A_57, %mul3A_95] : memref<80000x128xf32, #tpu.memory_space<hbm>> -> memref<1000x32xf32, #tpu.memory_space<hbm>>
      %dma_start3A_97 = tpu.memref_slice %arg6[%add3A_57, %mul3A_95] : memref<80000x128xf32, #tpu.memory_space<hbm>> -> memref<1000x32xf32, #tpu.memory_space<hbm>>
      tpu.enqueue_dma source(%arg10 : memref<1000x32xf32, #tpu.memory_space<vmem>>) target(%dma_start3A_97 : memref<1000x32xf32, #tpu.memory_space<hbm>>) target_semaphore(%arg12 : memref<!tpu.dma_semaphore, #tpu.memory_space<semaphore_mem>>)
    }
    %scan3A_37 = arith.constant 10 : i32
    %dma_wait3A = arith.constant 0 : i32
    %dma_wait3A_38 = arith.constant 0 : i32
    %dma_wait3A_39 = tpu.memref_slice %arg2[%dma_wait3A, %dma_wait3A_38] : memref<10000x32xf32, #tpu.memory_space<hbm>> -> memref<1000x32xf32, #tpu.memory_space<hbm>>
    %dma_wait3A_40 = arith.constant 0 : i32
    %dma_wait3A_41 = arith.constant 0 : i32
    %dma_wait3A_42 = tpu.memref_slice %arg2[%dma_wait3A_40, %dma_wait3A_41] : memref<10000x32xf32, #tpu.memory_space<hbm>> -> memref<1000x32xf32, #tpu.memory_space<hbm>>
    tpu.wait_dma2 semaphore(%arg12 : memref<!tpu.dma_semaphore, #tpu.memory_space<semaphore_mem>>) src(%dma_wait3A_42 : memref<1000x32xf32, #tpu.memory_space<hbm>>) dst(%arg9 : memref<1000x32xf32, #tpu.memory_space<vmem>>)
    %dma_wait3A_43 = arith.constant 0 : i32
    %dma_wait3A_44 = arith.constant 0 : i32
    %dma_wait3A_45 = tpu.memref_slice %arg2[%dma_wait3A_43, %dma_wait3A_44] : memref<10000x32xf32, #tpu.memory_space<hbm>> -> memref<1000x32xf32, #tpu.memory_space<hbm>>
    %dma_wait3A_46 = arith.constant 0 : i32
    %dma_wait3A_47 = arith.constant 0 : i32
    %dma_wait3A_48 = tpu.memref_slice %arg2[%dma_wait3A_46, %dma_wait3A_47] : memref<10000x32xf32, #tpu.memory_space<hbm>> -> memref<1000x32xf32, #tpu.memory_space<hbm>>
    tpu.wait_dma2 semaphore(%arg12 : memref<!tpu.dma_semaphore, #tpu.memory_space<semaphore_mem>>) src(%dma_wait3A_48 : memref<1000x32xf32, #tpu.memory_space<hbm>>) dst(%arg10 : memref<1000x32xf32, #tpu.memory_space<vmem>>)
    return
  }
}

#map = affine_map<(d0, d1) -> (0, 0)>
#map1 = affine_map<(d0, d1) -> (0, 0, 0)>
module attributes {stable_mosaic.version = 14 : i64} {
  func.func @scatter_sc(%arg0: i32, %arg1: i32, %arg2: memref<80000x128xf32, #tpu.memory_space<hbm>>, %arg3: memref<4000x80xi32, #tpu.memory_space<hbm>>, %arg4: memref<4000x80xi32, #tpu.memory_space<hbm>>, %arg5: memref<625x32xf32, #tpu.memory_space<hbm>>, %arg6: memref<4x10000x32xf32, #tpu.memory_space<hbm>>, %arg7: memref<25x80xi32, #tpu.memory_space<vmem>>, %arg8: memref<25x80xi32, #tpu.memory_space<vmem>>, %arg9: memref<2000x32xf32, #tpu.memory_space<vmem>>, %arg10: memref<10000x32xf32, #tpu.memory_space<vmem_shared>>, %arg11: memref<10000x32xf32, #tpu.memory_space<vmem_shared>>, %arg12: memref<!tpu.dma_semaphore, #tpu.memory_space<semaphore_mem>>) attributes {dimension_semantics = [#tpu.dimension_semantics<core_parallel>, #tpu.dimension_semantics<subcore_parallel>], iteration_bounds = array<i64: 2, 16>, scalar_prefetch = 0 : i64, scratch_operands = 6 : i64, tpu.core_type = #tpu.core_type<sc_vector_subcore>, window_params = [{transform_indices = #map}, {transform_indices = #map}, {transform_indices = #map}, {transform_indices = #map}, {transform_indices = #map1}]} {
    %mul3A = arith.constant 16 : i32
    %mul3A_0 = arith.muli %arg0, %mul3A : i32
    %add3A = arith.addi %mul3A_0, %arg1 : i32
    %mul3A_1 = arith.constant 625 : i32
    %mul3A_2 = arith.muli %arg1, %mul3A_1 : i32
    %jit3A = arith.constant 8 : i32
    %div3A = arith.divsi %add3A, %jit3A : i32
    %sign3A = arith.constant 0 : i32
    %sign3A_3 = arith.cmpi sgt, %add3A, %sign3A : i32
    %sign3A_4 = arith.extui %sign3A_3 : i1 to i32
    %sign3A_5 = arith.constant 0 : i32
    %sign3A_6 = arith.cmpi slt, %add3A, %sign3A_5 : i32
    %sign3A_7 = arith.extui %sign3A_6 : i1 to i32
    %sign3A_8 = arith.subi %sign3A_4, %sign3A_7 : i32
    %sign3A_9 = arith.constant 0 : i32
    %sign3A_10 = arith.cmpi sgt, %jit3A, %sign3A_9 : i32
    %sign3A_11 = arith.extui %sign3A_10 : i1 to i32
    %sign3A_12 = arith.constant 0 : i32
    %sign3A_13 = arith.cmpi slt, %jit3A, %sign3A_12 : i32
    %sign3A_14 = arith.extui %sign3A_13 : i1 to i32
    %sign3A_15 = arith.subi %sign3A_11, %sign3A_14 : i32
    %ne3A = arith.cmpi ne, %sign3A_8, %sign3A_15 : i32
    %rem3A = arith.remsi %add3A, %jit3A : i32
    %ne3A_16 = arith.constant 0 : i32
    %ne3A_17 = arith.cmpi ne, %rem3A, %ne3A_16 : i32
    %and3A = arith.andi %ne3A, %ne3A_17 : i1
    %sub3A = arith.constant 1 : i32
    %sub3A_18 = arith.subi %div3A, %sub3A : i32
    %select_n3A = arith.select %and3A, %sub3A_18, %div3A : i32
    %jit3A_19 = arith.constant 8 : i32
    %eq3A = arith.constant 0 : i32
    %eq3A_20 = arith.cmpi eq, %jit3A_19, %eq3A : i32
    %jit3A_21 = arith.constant 1 : i32
    %select_n3A_22 = arith.select %eq3A_20, %jit3A_21, %jit3A_19 : i32
    %rem3A_23 = arith.remsi %add3A, %select_n3A_22 : i32
    %ne3A_24 = arith.constant 0 : i32
    %ne3A_25 = arith.cmpi ne, %rem3A_23, %ne3A_24 : i32
    %lt3A = arith.constant 0 : i32
    %lt3A_26 = arith.cmpi slt, %rem3A_23, %lt3A : i32
    %lt3A_27 = arith.constant 0 : i32
    %lt3A_28 = arith.cmpi slt, %select_n3A_22, %lt3A_27 : i32
    %ne3A_29 = arith.xori %lt3A_26, %lt3A_28 : i1
    %and3A_30 = arith.andi %ne3A_29, %ne3A_25 : i1
    %add3A_31 = arith.addi %rem3A_23, %select_n3A_22 : i32
    %select_n3A_32 = arith.select %and3A_30, %add3A_31, %rem3A_23 : i32
    %mul3A_33 = arith.constant 10000 : i32
    %mul3A_34 = arith.muli %select_n3A_32, %mul3A_33 : i32
    "tpu.region"() ({
      %run_scoped3A = tpu.sem_alloc : memref<!tpu.dma_semaphore, #tpu.memory_space<semaphore_mem>>
      %dma_start3A = arith.constant 0 : i32
      %dma_start3A_47 = tpu.memref_slice %arg10[%mul3A_2, %dma_start3A] : memref<10000x32xf32, #tpu.memory_space<vmem_shared>> -> memref<625x32xf32, #tpu.memory_space<vmem_shared>>
      tpu.enqueue_dma source(%arg5 : memref<625x32xf32, #tpu.memory_space<hbm>>) target(%dma_start3A_47 : memref<625x32xf32, #tpu.memory_space<vmem_shared>>) target_semaphore(%run_scoped3A : memref<!tpu.dma_semaphore, #tpu.memory_space<semaphore_mem>>)
      %dma_wait3A = arith.constant 0 : i32
      %dma_wait3A_48 = tpu.memref_slice %arg10[%mul3A_2, %dma_wait3A] : memref<10000x32xf32, #tpu.memory_space<vmem_shared>> -> memref<625x32xf32, #tpu.memory_space<vmem_shared>>
      tpu.wait_dma2 semaphore(%run_scoped3A : memref<!tpu.dma_semaphore, #tpu.memory_space<semaphore_mem>>) src(%arg5 : memref<625x32xf32, #tpu.memory_space<hbm>>) dst(%dma_wait3A_48 : memref<625x32xf32, #tpu.memory_space<vmem_shared>>)
      tpu.yield
    }) : () -> ()
    "tpu.region"() ({
      %run_scoped3A = tpu.sem_alloc : memref<!tpu.dma_semaphore, #tpu.memory_space<semaphore_mem>>
      %dma_start3A = arith.constant 0 : i32
      %dma_start3A_47 = tpu.memref_slice %arg11[%mul3A_2, %dma_start3A] : memref<10000x32xf32, #tpu.memory_space<vmem_shared>> -> memref<625x32xf32, #tpu.memory_space<vmem_shared>>
      tpu.enqueue_dma source(%arg5 : memref<625x32xf32, #tpu.memory_space<hbm>>) target(%dma_start3A_47 : memref<625x32xf32, #tpu.memory_space<vmem_shared>>) target_semaphore(%run_scoped3A : memref<!tpu.dma_semaphore, #tpu.memory_space<semaphore_mem>>)
      %dma_wait3A = arith.constant 0 : i32
      %dma_wait3A_48 = tpu.memref_slice %arg11[%mul3A_2, %dma_wait3A] : memref<10000x32xf32, #tpu.memory_space<vmem_shared>> -> memref<625x32xf32, #tpu.memory_space<vmem_shared>>
      tpu.wait_dma2 semaphore(%run_scoped3A : memref<!tpu.dma_semaphore, #tpu.memory_space<semaphore_mem>>) src(%arg5 : memref<625x32xf32, #tpu.memory_space<hbm>>) dst(%dma_wait3A_48 : memref<625x32xf32, #tpu.memory_space<vmem_shared>>)
      tpu.yield
    }) : () -> ()
    %barrier3A = arith.constant 0 : index
    tpu.barrier barrier_id(%barrier3A)
    %scan3A = arith.constant 0 : i32
    %scan3A_35 = arith.constant 0 : i32
    %scan3A_36 = arith.constant 5 : i32
    %scan3A_37 = arith.addi %scan3A_35, %scan3A_36 : i32
    %scan3A_38 = arith.constant 1 : i32
    scf.for %scan3A_47 = %scan3A_35 to %scan3A_37 step %scan3A_38  : i32 {
      %mul3A_48 = arith.constant 125 : i32
      %mul3A_49 = arith.muli %add3A, %mul3A_48 : i32
      %mul3A_50 = arith.constant 25 : i32
      %mul3A_51 = arith.muli %scan3A_47, %mul3A_50 : i32
      %add3A_52 = arith.addi %mul3A_49, %mul3A_51 : i32
      %mul3A_53 = arith.constant 2000 : i32
      %mul3A_54 = arith.muli %scan3A_47, %mul3A_53 : i32
      %add3A_55 = arith.addi %mul3A_34, %mul3A_54 : i32
      %mul3A_56 = arith.constant 32 : i32
      %mul3A_57 = arith.muli %mul3A_56, %select_n3A : i32
      "tpu.region"() ({
        %run_scoped3A = tpu.sem_alloc : memref<!tpu.dma_semaphore, #tpu.memory_space<semaphore_mem>>
        %dma_start3A = tpu.memref_slice %arg2[%add3A_55, %mul3A_57] : memref<80000x128xf32, #tpu.memory_space<hbm>> -> memref<2000x32xf32, #tpu.memory_space<hbm>>
        %dma_start3A_64 = tpu.memref_slice %arg2[%add3A_55, %mul3A_57] : memref<80000x128xf32, #tpu.memory_space<hbm>> -> memref<2000x32xf32, #tpu.memory_space<hbm>>
        tpu.enqueue_dma source(%dma_start3A_64 : memref<2000x32xf32, #tpu.memory_space<hbm>>) target(%arg9 : memref<2000x32xf32, #tpu.memory_space<vmem>>) target_semaphore(%run_scoped3A : memref<!tpu.dma_semaphore, #tpu.memory_space<semaphore_mem>>)
        %dma_wait3A = tpu.memref_slice %arg2[%add3A_55, %mul3A_57] : memref<80000x128xf32, #tpu.memory_space<hbm>> -> memref<2000x32xf32, #tpu.memory_space<hbm>>
        %dma_wait3A_65 = tpu.memref_slice %arg2[%add3A_55, %mul3A_57] : memref<80000x128xf32, #tpu.memory_space<hbm>> -> memref<2000x32xf32, #tpu.memory_space<hbm>>
        tpu.wait_dma2 semaphore(%run_scoped3A : memref<!tpu.dma_semaphore, #tpu.memory_space<semaphore_mem>>) src(%dma_wait3A_65 : memref<2000x32xf32, #tpu.memory_space<hbm>>) dst(%arg9 : memref<2000x32xf32, #tpu.memory_space<vmem>>)
        tpu.yield
      }) : () -> ()
      "tpu.region"() ({
        %run_scoped3A = tpu.sem_alloc : memref<!tpu.dma_semaphore, #tpu.memory_space<semaphore_mem>>
        %dma_start3A = arith.constant 0 : i32
        %dma_start3A_64 = tpu.memref_slice %arg3[%add3A_52, %dma_start3A] : memref<4000x80xi32, #tpu.memory_space<hbm>> -> memref<25x80xi32, #tpu.memory_space<hbm>>
        %dma_start3A_65 = arith.constant 0 : i32
        %dma_start3A_66 = tpu.memref_slice %arg3[%add3A_52, %dma_start3A_65] : memref<4000x80xi32, #tpu.memory_space<hbm>> -> memref<25x80xi32, #tpu.memory_space<hbm>>
        tpu.enqueue_dma source(%dma_start3A_66 : memref<25x80xi32, #tpu.memory_space<hbm>>) target(%arg7 : memref<25x80xi32, #tpu.memory_space<vmem>>) target_semaphore(%run_scoped3A : memref<!tpu.dma_semaphore, #tpu.memory_space<semaphore_mem>>)
        %dma_wait3A = arith.constant 0 : i32
        %dma_wait3A_67 = tpu.memref_slice %arg3[%add3A_52, %dma_wait3A] : memref<4000x80xi32, #tpu.memory_space<hbm>> -> memref<25x80xi32, #tpu.memory_space<hbm>>
        %dma_wait3A_68 = arith.constant 0 : i32
        %dma_wait3A_69 = tpu.memref_slice %arg3[%add3A_52, %dma_wait3A_68] : memref<4000x80xi32, #tpu.memory_space<hbm>> -> memref<25x80xi32, #tpu.memory_space<hbm>>
        tpu.wait_dma2 semaphore(%run_scoped3A : memref<!tpu.dma_semaphore, #tpu.memory_space<semaphore_mem>>) src(%dma_wait3A_69 : memref<25x80xi32, #tpu.memory_space<hbm>>) dst(%arg7 : memref<25x80xi32, #tpu.memory_space<vmem>>)
        tpu.yield
      }) : () -> ()
      "tpu.region"() ({
        %run_scoped3A = tpu.sem_alloc : memref<!tpu.dma_semaphore, #tpu.memory_space<semaphore_mem>>
        %dma_start3A = arith.constant 0 : i32
        %dma_start3A_64 = tpu.memref_slice %arg4[%add3A_52, %dma_start3A] : memref<4000x80xi32, #tpu.memory_space<hbm>> -> memref<25x80xi32, #tpu.memory_space<hbm>>
        %dma_start3A_65 = arith.constant 0 : i32
        %dma_start3A_66 = tpu.memref_slice %arg4[%add3A_52, %dma_start3A_65] : memref<4000x80xi32, #tpu.memory_space<hbm>> -> memref<25x80xi32, #tpu.memory_space<hbm>>
        tpu.enqueue_dma source(%dma_start3A_66 : memref<25x80xi32, #tpu.memory_space<hbm>>) target(%arg8 : memref<25x80xi32, #tpu.memory_space<vmem>>) target_semaphore(%run_scoped3A : memref<!tpu.dma_semaphore, #tpu.memory_space<semaphore_mem>>)
        %dma_wait3A = arith.constant 0 : i32
        %dma_wait3A_67 = tpu.memref_slice %arg4[%add3A_52, %dma_wait3A] : memref<4000x80xi32, #tpu.memory_space<hbm>> -> memref<25x80xi32, #tpu.memory_space<hbm>>
        %dma_wait3A_68 = arith.constant 0 : i32
        %dma_wait3A_69 = tpu.memref_slice %arg4[%add3A_52, %dma_wait3A_68] : memref<4000x80xi32, #tpu.memory_space<hbm>> -> memref<25x80xi32, #tpu.memory_space<hbm>>
        tpu.wait_dma2 semaphore(%run_scoped3A : memref<!tpu.dma_semaphore, #tpu.memory_space<semaphore_mem>>) src(%dma_wait3A_69 : memref<25x80xi32, #tpu.memory_space<hbm>>) dst(%arg8 : memref<25x80xi32, #tpu.memory_space<vmem>>)
        tpu.yield
      }) : () -> ()
      %scan3A_58 = arith.constant 0 : i32
      %scan3A_59 = arith.constant 0 : i32
      %scan3A_60 = arith.constant 5 : i32
      %scan3A_61 = arith.addi %scan3A_59, %scan3A_60 : i32
      %scan3A_62 = arith.constant 1 : i32
      scf.for %scan3A_64 = %scan3A_59 to %scan3A_61 step %scan3A_62  : i32 {
        %mul3A_65 = arith.constant 5 : i32
        %mul3A_66 = arith.muli %scan3A_64, %mul3A_65 : i32
        %add3A_67 = arith.constant 0 : i32
        %add3A_68 = arith.addi %mul3A_66, %add3A_67 : i32
        %mul3A_69 = arith.constant 80 : i32
        %mul3A_70 = arith.muli %add3A_68, %mul3A_69 : i32
        "tpu.region"() ({
          %run_scoped3A = tpu.sem_alloc : memref<!tpu.dma_semaphore, #tpu.memory_space<semaphore_mem>>
          %dma_start3A = arith.constant 0 : i32
          %dma_start3A_95 = tpu.memref_slice %arg9[%mul3A_70, %dma_start3A] : memref<2000x32xf32, #tpu.memory_space<vmem>> -> memref<80x32xf32, #tpu.memory_space<vmem>>
          %dma_start3A_96 = arith.constant 0 : i32
          %dma_start3A_97 = tpu.memref_slice %arg8[%add3A_68, %dma_start3A_96] : memref<25x80xi32, #tpu.memory_space<vmem>> -> memref<1x80xi32, #tpu.memory_space<vmem>>
          %dma_start3A_98 = tpu.memref_squeeze %dma_start3A_97 : memref<1x80xi32, #tpu.memory_space<vmem>> -> memref<80xi32, #tpu.memory_space<vmem>>
          %dma_start3A_99 = arith.constant 0 : i32
          %dma_start3A_100 = arith.constant 0 : i32
          %dma_start3A_101 = tpu.memref_slice %arg10[%dma_start3A_99, %dma_start3A_100] : memref<10000x32xf32, #tpu.memory_space<vmem_shared>> -> memref<10000x32xf32, #tpu.memory_space<vmem_shared>>
          tpu.enqueue_indirect_dma source(%dma_start3A_95 : memref<80x32xf32, #tpu.memory_space<vmem>>) target(%dma_start3A_101 : memref<10000x32xf32, #tpu.memory_space<vmem_shared>>) offsets(%dma_start3A_98 : memref<80xi32, #tpu.memory_space<vmem>>) semaphore(%run_scoped3A : memref<!tpu.dma_semaphore, #tpu.memory_space<semaphore_mem>>) {add = true}
          %dma_wait3A = arith.constant 0 : i32
          %dma_wait3A_102 = tpu.memref_slice %arg9[%mul3A_70, %dma_wait3A] : memref<2000x32xf32, #tpu.memory_space<vmem>> -> memref<80x32xf32, #tpu.memory_space<vmem>>
          %dma_wait3A_103 = arith.constant 0 : i32
          %dma_wait3A_104 = tpu.memref_slice %arg8[%add3A_68, %dma_wait3A_103] : memref<25x80xi32, #tpu.memory_space<vmem>> -> memref<1x80xi32, #tpu.memory_space<vmem>>
          %dma_wait3A_105 = tpu.memref_squeeze %dma_wait3A_104 : memref<1x80xi32, #tpu.memory_space<vmem>> -> memref<80xi32, #tpu.memory_space<vmem>>
          %dma_wait3A_106 = arith.constant 0 : i32
          %dma_wait3A_107 = arith.constant 0 : i32
          %dma_wait3A_108 = tpu.memref_slice %arg10[%dma_wait3A_106, %dma_wait3A_107] : memref<10000x32xf32, #tpu.memory_space<vmem_shared>> -> memref<10000x32xf32, #tpu.memory_space<vmem_shared>>
          tpu.wait_indirect_dma semaphore(%run_scoped3A : memref<!tpu.dma_semaphore, #tpu.memory_space<semaphore_mem>>) src(%dma_wait3A_102 : memref<80x32xf32, #tpu.memory_space<vmem>>) dst(%dma_wait3A_108 : memref<10000x32xf32, #tpu.memory_space<vmem_shared>>)
          tpu.yield
        }) : () -> ()
        "tpu.region"() ({
          %run_scoped3A = tpu.sem_alloc : memref<!tpu.dma_semaphore, #tpu.memory_space<semaphore_mem>>
          %dma_start3A = arith.constant 0 : i32
          %dma_start3A_95 = tpu.memref_slice %arg9[%mul3A_70, %dma_start3A] : memref<2000x32xf32, #tpu.memory_space<vmem>> -> memref<80x32xf32, #tpu.memory_space<vmem>>
          %dma_start3A_96 = arith.constant 0 : i32
          %dma_start3A_97 = tpu.memref_slice %arg7[%add3A_68, %dma_start3A_96] : memref<25x80xi32, #tpu.memory_space<vmem>> -> memref<1x80xi32, #tpu.memory_space<vmem>>
          %dma_start3A_98 = tpu.memref_squeeze %dma_start3A_97 : memref<1x80xi32, #tpu.memory_space<vmem>> -> memref<80xi32, #tpu.memory_space<vmem>>
          %dma_start3A_99 = arith.constant 0 : i32
          %dma_start3A_100 = arith.constant 0 : i32
          %dma_start3A_101 = tpu.memref_slice %arg11[%dma_start3A_99, %dma_start3A_100] : memref<10000x32xf32, #tpu.memory_space<vmem_shared>> -> memref<10000x32xf32, #tpu.memory_space<vmem_shared>>
          tpu.enqueue_indirect_dma source(%dma_start3A_95 : memref<80x32xf32, #tpu.memory_space<vmem>>) target(%dma_start3A_101 : memref<10000x32xf32, #tpu.memory_space<vmem_shared>>) offsets(%dma_start3A_98 : memref<80xi32, #tpu.memory_space<vmem>>) semaphore(%run_scoped3A : memref<!tpu.dma_semaphore, #tpu.memory_space<semaphore_mem>>) {add = true}
          %dma_wait3A = arith.constant 0 : i32
          %dma_wait3A_102 = tpu.memref_slice %arg9[%mul3A_70, %dma_wait3A] : memref<2000x32xf32, #tpu.memory_space<vmem>> -> memref<80x32xf32, #tpu.memory_space<vmem>>
          %dma_wait3A_103 = arith.constant 0 : i32
          %dma_wait3A_104 = tpu.memref_slice %arg7[%add3A_68, %dma_wait3A_103] : memref<25x80xi32, #tpu.memory_space<vmem>> -> memref<1x80xi32, #tpu.memory_space<vmem>>
          %dma_wait3A_105 = tpu.memref_squeeze %dma_wait3A_104 : memref<1x80xi32, #tpu.memory_space<vmem>> -> memref<80xi32, #tpu.memory_space<vmem>>
          %dma_wait3A_106 = arith.constant 0 : i32
          %dma_wait3A_107 = arith.constant 0 : i32
          %dma_wait3A_108 = tpu.memref_slice %arg11[%dma_wait3A_106, %dma_wait3A_107] : memref<10000x32xf32, #tpu.memory_space<vmem_shared>> -> memref<10000x32xf32, #tpu.memory_space<vmem_shared>>
          tpu.wait_indirect_dma semaphore(%run_scoped3A : memref<!tpu.dma_semaphore, #tpu.memory_space<semaphore_mem>>) src(%dma_wait3A_102 : memref<80x32xf32, #tpu.memory_space<vmem>>) dst(%dma_wait3A_108 : memref<10000x32xf32, #tpu.memory_space<vmem_shared>>)
          tpu.yield
        }) : () -> ()
        %mul3A_71 = arith.constant 5 : i32
        %mul3A_72 = arith.muli %scan3A_64, %mul3A_71 : i32
        %add3A_73 = arith.constant 1 : i32
        %add3A_74 = arith.addi %mul3A_72, %add3A_73 : i32
        %mul3A_75 = arith.constant 80 : i32
        %mul3A_76 = arith.muli %add3A_74, %mul3A_75 : i32
        "tpu.region"() ({
          %run_scoped3A = tpu.sem_alloc : memref<!tpu.dma_semaphore, #tpu.memory_space<semaphore_mem>>
          %dma_start3A = arith.constant 0 : i32
          %dma_start3A_95 = tpu.memref_slice %arg9[%mul3A_76, %dma_start3A] : memref<2000x32xf32, #tpu.memory_space<vmem>> -> memref<80x32xf32, #tpu.memory_space<vmem>>
          %dma_start3A_96 = arith.constant 0 : i32
          %dma_start3A_97 = tpu.memref_slice %arg8[%add3A_74, %dma_start3A_96] : memref<25x80xi32, #tpu.memory_space<vmem>> -> memref<1x80xi32, #tpu.memory_space<vmem>>
          %dma_start3A_98 = tpu.memref_squeeze %dma_start3A_97 : memref<1x80xi32, #tpu.memory_space<vmem>> -> memref<80xi32, #tpu.memory_space<vmem>>
          %dma_start3A_99 = arith.constant 0 : i32
          %dma_start3A_100 = arith.constant 0 : i32
          %dma_start3A_101 = tpu.memref_slice %arg10[%dma_start3A_99, %dma_start3A_100] : memref<10000x32xf32, #tpu.memory_space<vmem_shared>> -> memref<10000x32xf32, #tpu.memory_space<vmem_shared>>
          tpu.enqueue_indirect_dma source(%dma_start3A_95 : memref<80x32xf32, #tpu.memory_space<vmem>>) target(%dma_start3A_101 : memref<10000x32xf32, #tpu.memory_space<vmem_shared>>) offsets(%dma_start3A_98 : memref<80xi32, #tpu.memory_space<vmem>>) semaphore(%run_scoped3A : memref<!tpu.dma_semaphore, #tpu.memory_space<semaphore_mem>>) {add = true}
          %dma_wait3A = arith.constant 0 : i32
          %dma_wait3A_102 = tpu.memref_slice %arg9[%mul3A_76, %dma_wait3A] : memref<2000x32xf32, #tpu.memory_space<vmem>> -> memref<80x32xf32, #tpu.memory_space<vmem>>
          %dma_wait3A_103 = arith.constant 0 : i32
          %dma_wait3A_104 = tpu.memref_slice %arg8[%add3A_74, %dma_wait3A_103] : memref<25x80xi32, #tpu.memory_space<vmem>> -> memref<1x80xi32, #tpu.memory_space<vmem>>
          %dma_wait3A_105 = tpu.memref_squeeze %dma_wait3A_104 : memref<1x80xi32, #tpu.memory_space<vmem>> -> memref<80xi32, #tpu.memory_space<vmem>>
          %dma_wait3A_106 = arith.constant 0 : i32
          %dma_wait3A_107 = arith.constant 0 : i32
          %dma_wait3A_108 = tpu.memref_slice %arg10[%dma_wait3A_106, %dma_wait3A_107] : memref<10000x32xf32, #tpu.memory_space<vmem_shared>> -> memref<10000x32xf32, #tpu.memory_space<vmem_shared>>
          tpu.wait_indirect_dma semaphore(%run_scoped3A : memref<!tpu.dma_semaphore, #tpu.memory_space<semaphore_mem>>) src(%dma_wait3A_102 : memref<80x32xf32, #tpu.memory_space<vmem>>) dst(%dma_wait3A_108 : memref<10000x32xf32, #tpu.memory_space<vmem_shared>>)
          tpu.yield
        }) : () -> ()
        "tpu.region"() ({
          %run_scoped3A = tpu.sem_alloc : memref<!tpu.dma_semaphore, #tpu.memory_space<semaphore_mem>>
          %dma_start3A = arith.constant 0 : i32
          %dma_start3A_95 = tpu.memref_slice %arg9[%mul3A_76, %dma_start3A] : memref<2000x32xf32, #tpu.memory_space<vmem>> -> memref<80x32xf32, #tpu.memory_space<vmem>>
          %dma_start3A_96 = arith.constant 0 : i32
          %dma_start3A_97 = tpu.memref_slice %arg7[%add3A_74, %dma_start3A_96] : memref<25x80xi32, #tpu.memory_space<vmem>> -> memref<1x80xi32, #tpu.memory_space<vmem>>
          %dma_start3A_98 = tpu.memref_squeeze %dma_start3A_97 : memref<1x80xi32, #tpu.memory_space<vmem>> -> memref<80xi32, #tpu.memory_space<vmem>>
          %dma_start3A_99 = arith.constant 0 : i32
          %dma_start3A_100 = arith.constant 0 : i32
          %dma_start3A_101 = tpu.memref_slice %arg11[%dma_start3A_99, %dma_start3A_100] : memref<10000x32xf32, #tpu.memory_space<vmem_shared>> -> memref<10000x32xf32, #tpu.memory_space<vmem_shared>>
          tpu.enqueue_indirect_dma source(%dma_start3A_95 : memref<80x32xf32, #tpu.memory_space<vmem>>) target(%dma_start3A_101 : memref<10000x32xf32, #tpu.memory_space<vmem_shared>>) offsets(%dma_start3A_98 : memref<80xi32, #tpu.memory_space<vmem>>) semaphore(%run_scoped3A : memref<!tpu.dma_semaphore, #tpu.memory_space<semaphore_mem>>) {add = true}
          %dma_wait3A = arith.constant 0 : i32
          %dma_wait3A_102 = tpu.memref_slice %arg9[%mul3A_76, %dma_wait3A] : memref<2000x32xf32, #tpu.memory_space<vmem>> -> memref<80x32xf32, #tpu.memory_space<vmem>>
          %dma_wait3A_103 = arith.constant 0 : i32
          %dma_wait3A_104 = tpu.memref_slice %arg7[%add3A_74, %dma_wait3A_103] : memref<25x80xi32, #tpu.memory_space<vmem>> -> memref<1x80xi32, #tpu.memory_space<vmem>>
          %dma_wait3A_105 = tpu.memref_squeeze %dma_wait3A_104 : memref<1x80xi32, #tpu.memory_space<vmem>> -> memref<80xi32, #tpu.memory_space<vmem>>
          %dma_wait3A_106 = arith.constant 0 : i32
          %dma_wait3A_107 = arith.constant 0 : i32
          %dma_wait3A_108 = tpu.memref_slice %arg11[%dma_wait3A_106, %dma_wait3A_107] : memref<10000x32xf32, #tpu.memory_space<vmem_shared>> -> memref<10000x32xf32, #tpu.memory_space<vmem_shared>>
          tpu.wait_indirect_dma semaphore(%run_scoped3A : memref<!tpu.dma_semaphore, #tpu.memory_space<semaphore_mem>>) src(%dma_wait3A_102 : memref<80x32xf32, #tpu.memory_space<vmem>>) dst(%dma_wait3A_108 : memref<10000x32xf32, #tpu.memory_space<vmem_shared>>)
          tpu.yield
        }) : () -> ()
        %mul3A_77 = arith.constant 5 : i32
        %mul3A_78 = arith.muli %scan3A_64, %mul3A_77 : i32
        %add3A_79 = arith.constant 2 : i32
        %add3A_80 = arith.addi %mul3A_78, %add3A_79 : i32
        %mul3A_81 = arith.constant 80 : i32
        %mul3A_82 = arith.muli %add3A_80, %mul3A_81 : i32
        "tpu.region"() ({
          %run_scoped3A = tpu.sem_alloc : memref<!tpu.dma_semaphore, #tpu.memory_space<semaphore_mem>>
          %dma_start3A = arith.constant 0 : i32
          %dma_start3A_95 = tpu.memref_slice %arg9[%mul3A_82, %dma_start3A] : memref<2000x32xf32, #tpu.memory_space<vmem>> -> memref<80x32xf32, #tpu.memory_space<vmem>>
          %dma_start3A_96 = arith.constant 0 : i32
          %dma_start3A_97 = tpu.memref_slice %arg8[%add3A_80, %dma_start3A_96] : memref<25x80xi32, #tpu.memory_space<vmem>> -> memref<1x80xi32, #tpu.memory_space<vmem>>
          %dma_start3A_98 = tpu.memref_squeeze %dma_start3A_97 : memref<1x80xi32, #tpu.memory_space<vmem>> -> memref<80xi32, #tpu.memory_space<vmem>>
          %dma_start3A_99 = arith.constant 0 : i32
          %dma_start3A_100 = arith.constant 0 : i32
          %dma_start3A_101 = tpu.memref_slice %arg10[%dma_start3A_99, %dma_start3A_100] : memref<10000x32xf32, #tpu.memory_space<vmem_shared>> -> memref<10000x32xf32, #tpu.memory_space<vmem_shared>>
          tpu.enqueue_indirect_dma source(%dma_start3A_95 : memref<80x32xf32, #tpu.memory_space<vmem>>) target(%dma_start3A_101 : memref<10000x32xf32, #tpu.memory_space<vmem_shared>>) offsets(%dma_start3A_98 : memref<80xi32, #tpu.memory_space<vmem>>) semaphore(%run_scoped3A : memref<!tpu.dma_semaphore, #tpu.memory_space<semaphore_mem>>) {add = true}
          %dma_wait3A = arith.constant 0 : i32
          %dma_wait3A_102 = tpu.memref_slice %arg9[%mul3A_82, %dma_wait3A] : memref<2000x32xf32, #tpu.memory_space<vmem>> -> memref<80x32xf32, #tpu.memory_space<vmem>>
          %dma_wait3A_103 = arith.constant 0 : i32
          %dma_wait3A_104 = tpu.memref_slice %arg8[%add3A_80, %dma_wait3A_103] : memref<25x80xi32, #tpu.memory_space<vmem>> -> memref<1x80xi32, #tpu.memory_space<vmem>>
          %dma_wait3A_105 = tpu.memref_squeeze %dma_wait3A_104 : memref<1x80xi32, #tpu.memory_space<vmem>> -> memref<80xi32, #tpu.memory_space<vmem>>
          %dma_wait3A_106 = arith.constant 0 : i32
          %dma_wait3A_107 = arith.constant 0 : i32
          %dma_wait3A_108 = tpu.memref_slice %arg10[%dma_wait3A_106, %dma_wait3A_107] : memref<10000x32xf32, #tpu.memory_space<vmem_shared>> -> memref<10000x32xf32, #tpu.memory_space<vmem_shared>>
          tpu.wait_indirect_dma semaphore(%run_scoped3A : memref<!tpu.dma_semaphore, #tpu.memory_space<semaphore_mem>>) src(%dma_wait3A_102 : memref<80x32xf32, #tpu.memory_space<vmem>>) dst(%dma_wait3A_108 : memref<10000x32xf32, #tpu.memory_space<vmem_shared>>)
          tpu.yield
        }) : () -> ()
        "tpu.region"() ({
          %run_scoped3A = tpu.sem_alloc : memref<!tpu.dma_semaphore, #tpu.memory_space<semaphore_mem>>
          %dma_start3A = arith.constant 0 : i32
          %dma_start3A_95 = tpu.memref_slice %arg9[%mul3A_82, %dma_start3A] : memref<2000x32xf32, #tpu.memory_space<vmem>> -> memref<80x32xf32, #tpu.memory_space<vmem>>
          %dma_start3A_96 = arith.constant 0 : i32
          %dma_start3A_97 = tpu.memref_slice %arg7[%add3A_80, %dma_start3A_96] : memref<25x80xi32, #tpu.memory_space<vmem>> -> memref<1x80xi32, #tpu.memory_space<vmem>>
          %dma_start3A_98 = tpu.memref_squeeze %dma_start3A_97 : memref<1x80xi32, #tpu.memory_space<vmem>> -> memref<80xi32, #tpu.memory_space<vmem>>
          %dma_start3A_99 = arith.constant 0 : i32
          %dma_start3A_100 = arith.constant 0 : i32
          %dma_start3A_101 = tpu.memref_slice %arg11[%dma_start3A_99, %dma_start3A_100] : memref<10000x32xf32, #tpu.memory_space<vmem_shared>> -> memref<10000x32xf32, #tpu.memory_space<vmem_shared>>
          tpu.enqueue_indirect_dma source(%dma_start3A_95 : memref<80x32xf32, #tpu.memory_space<vmem>>) target(%dma_start3A_101 : memref<10000x32xf32, #tpu.memory_space<vmem_shared>>) offsets(%dma_start3A_98 : memref<80xi32, #tpu.memory_space<vmem>>) semaphore(%run_scoped3A : memref<!tpu.dma_semaphore, #tpu.memory_space<semaphore_mem>>) {add = true}
          %dma_wait3A = arith.constant 0 : i32
          %dma_wait3A_102 = tpu.memref_slice %arg9[%mul3A_82, %dma_wait3A] : memref<2000x32xf32, #tpu.memory_space<vmem>> -> memref<80x32xf32, #tpu.memory_space<vmem>>
          %dma_wait3A_103 = arith.constant 0 : i32
          %dma_wait3A_104 = tpu.memref_slice %arg7[%add3A_80, %dma_wait3A_103] : memref<25x80xi32, #tpu.memory_space<vmem>> -> memref<1x80xi32, #tpu.memory_space<vmem>>
          %dma_wait3A_105 = tpu.memref_squeeze %dma_wait3A_104 : memref<1x80xi32, #tpu.memory_space<vmem>> -> memref<80xi32, #tpu.memory_space<vmem>>
          %dma_wait3A_106 = arith.constant 0 : i32
          %dma_wait3A_107 = arith.constant 0 : i32
          %dma_wait3A_108 = tpu.memref_slice %arg11[%dma_wait3A_106, %dma_wait3A_107] : memref<10000x32xf32, #tpu.memory_space<vmem_shared>> -> memref<10000x32xf32, #tpu.memory_space<vmem_shared>>
          tpu.wait_indirect_dma semaphore(%run_scoped3A : memref<!tpu.dma_semaphore, #tpu.memory_space<semaphore_mem>>) src(%dma_wait3A_102 : memref<80x32xf32, #tpu.memory_space<vmem>>) dst(%dma_wait3A_108 : memref<10000x32xf32, #tpu.memory_space<vmem_shared>>)
          tpu.yield
        }) : () -> ()
        %mul3A_83 = arith.constant 5 : i32
        %mul3A_84 = arith.muli %scan3A_64, %mul3A_83 : i32
        %add3A_85 = arith.constant 3 : i32
        %add3A_86 = arith.addi %mul3A_84, %add3A_85 : i32
        %mul3A_87 = arith.constant 80 : i32
        %mul3A_88 = arith.muli %add3A_86, %mul3A_87 : i32
        "tpu.region"() ({
          %run_scoped3A = tpu.sem_alloc : memref<!tpu.dma_semaphore, #tpu.memory_space<semaphore_mem>>
          %dma_start3A = arith.constant 0 : i32
          %dma_start3A_95 = tpu.memref_slice %arg9[%mul3A_88, %dma_start3A] : memref<2000x32xf32, #tpu.memory_space<vmem>> -> memref<80x32xf32, #tpu.memory_space<vmem>>
          %dma_start3A_96 = arith.constant 0 : i32
          %dma_start3A_97 = tpu.memref_slice %arg8[%add3A_86, %dma_start3A_96] : memref<25x80xi32, #tpu.memory_space<vmem>> -> memref<1x80xi32, #tpu.memory_space<vmem>>
          %dma_start3A_98 = tpu.memref_squeeze %dma_start3A_97 : memref<1x80xi32, #tpu.memory_space<vmem>> -> memref<80xi32, #tpu.memory_space<vmem>>
          %dma_start3A_99 = arith.constant 0 : i32
          %dma_start3A_100 = arith.constant 0 : i32
          %dma_start3A_101 = tpu.memref_slice %arg10[%dma_start3A_99, %dma_start3A_100] : memref<10000x32xf32, #tpu.memory_space<vmem_shared>> -> memref<10000x32xf32, #tpu.memory_space<vmem_shared>>
          tpu.enqueue_indirect_dma source(%dma_start3A_95 : memref<80x32xf32, #tpu.memory_space<vmem>>) target(%dma_start3A_101 : memref<10000x32xf32, #tpu.memory_space<vmem_shared>>) offsets(%dma_start3A_98 : memref<80xi32, #tpu.memory_space<vmem>>) semaphore(%run_scoped3A : memref<!tpu.dma_semaphore, #tpu.memory_space<semaphore_mem>>) {add = true}
          %dma_wait3A = arith.constant 0 : i32
          %dma_wait3A_102 = tpu.memref_slice %arg9[%mul3A_88, %dma_wait3A] : memref<2000x32xf32, #tpu.memory_space<vmem>> -> memref<80x32xf32, #tpu.memory_space<vmem>>
          %dma_wait3A_103 = arith.constant 0 : i32
          %dma_wait3A_104 = tpu.memref_slice %arg8[%add3A_86, %dma_wait3A_103] : memref<25x80xi32, #tpu.memory_space<vmem>> -> memref<1x80xi32, #tpu.memory_space<vmem>>
          %dma_wait3A_105 = tpu.memref_squeeze %dma_wait3A_104 : memref<1x80xi32, #tpu.memory_space<vmem>> -> memref<80xi32, #tpu.memory_space<vmem>>
          %dma_wait3A_106 = arith.constant 0 : i32
          %dma_wait3A_107 = arith.constant 0 : i32
          %dma_wait3A_108 = tpu.memref_slice %arg10[%dma_wait3A_106, %dma_wait3A_107] : memref<10000x32xf32, #tpu.memory_space<vmem_shared>> -> memref<10000x32xf32, #tpu.memory_space<vmem_shared>>
          tpu.wait_indirect_dma semaphore(%run_scoped3A : memref<!tpu.dma_semaphore, #tpu.memory_space<semaphore_mem>>) src(%dma_wait3A_102 : memref<80x32xf32, #tpu.memory_space<vmem>>) dst(%dma_wait3A_108 : memref<10000x32xf32, #tpu.memory_space<vmem_shared>>)
          tpu.yield
        }) : () -> ()
        "tpu.region"() ({
          %run_scoped3A = tpu.sem_alloc : memref<!tpu.dma_semaphore, #tpu.memory_space<semaphore_mem>>
          %dma_start3A = arith.constant 0 : i32
          %dma_start3A_95 = tpu.memref_slice %arg9[%mul3A_88, %dma_start3A] : memref<2000x32xf32, #tpu.memory_space<vmem>> -> memref<80x32xf32, #tpu.memory_space<vmem>>
          %dma_start3A_96 = arith.constant 0 : i32
          %dma_start3A_97 = tpu.memref_slice %arg7[%add3A_86, %dma_start3A_96] : memref<25x80xi32, #tpu.memory_space<vmem>> -> memref<1x80xi32, #tpu.memory_space<vmem>>
          %dma_start3A_98 = tpu.memref_squeeze %dma_start3A_97 : memref<1x80xi32, #tpu.memory_space<vmem>> -> memref<80xi32, #tpu.memory_space<vmem>>
          %dma_start3A_99 = arith.constant 0 : i32
          %dma_start3A_100 = arith.constant 0 : i32
          %dma_start3A_101 = tpu.memref_slice %arg11[%dma_start3A_99, %dma_start3A_100] : memref<10000x32xf32, #tpu.memory_space<vmem_shared>> -> memref<10000x32xf32, #tpu.memory_space<vmem_shared>>
          tpu.enqueue_indirect_dma source(%dma_start3A_95 : memref<80x32xf32, #tpu.memory_space<vmem>>) target(%dma_start3A_101 : memref<10000x32xf32, #tpu.memory_space<vmem_shared>>) offsets(%dma_start3A_98 : memref<80xi32, #tpu.memory_space<vmem>>) semaphore(%run_scoped3A : memref<!tpu.dma_semaphore, #tpu.memory_space<semaphore_mem>>) {add = true}
          %dma_wait3A = arith.constant 0 : i32
          %dma_wait3A_102 = tpu.memref_slice %arg9[%mul3A_88, %dma_wait3A] : memref<2000x32xf32, #tpu.memory_space<vmem>> -> memref<80x32xf32, #tpu.memory_space<vmem>>
          %dma_wait3A_103 = arith.constant 0 : i32
          %dma_wait3A_104 = tpu.memref_slice %arg7[%add3A_86, %dma_wait3A_103] : memref<25x80xi32, #tpu.memory_space<vmem>> -> memref<1x80xi32, #tpu.memory_space<vmem>>
          %dma_wait3A_105 = tpu.memref_squeeze %dma_wait3A_104 : memref<1x80xi32, #tpu.memory_space<vmem>> -> memref<80xi32, #tpu.memory_space<vmem>>
          %dma_wait3A_106 = arith.constant 0 : i32
          %dma_wait3A_107 = arith.constant 0 : i32
          %dma_wait3A_108 = tpu.memref_slice %arg11[%dma_wait3A_106, %dma_wait3A_107] : memref<10000x32xf32, #tpu.memory_space<vmem_shared>> -> memref<10000x32xf32, #tpu.memory_space<vmem_shared>>
          tpu.wait_indirect_dma semaphore(%run_scoped3A : memref<!tpu.dma_semaphore, #tpu.memory_space<semaphore_mem>>) src(%dma_wait3A_102 : memref<80x32xf32, #tpu.memory_space<vmem>>) dst(%dma_wait3A_108 : memref<10000x32xf32, #tpu.memory_space<vmem_shared>>)
          tpu.yield
        }) : () -> ()
        %mul3A_89 = arith.constant 5 : i32
        %mul3A_90 = arith.muli %scan3A_64, %mul3A_89 : i32
        %add3A_91 = arith.constant 4 : i32
        %add3A_92 = arith.addi %mul3A_90, %add3A_91 : i32
        %mul3A_93 = arith.constant 80 : i32
        %mul3A_94 = arith.muli %add3A_92, %mul3A_93 : i32
        "tpu.region"() ({
          %run_scoped3A = tpu.sem_alloc : memref<!tpu.dma_semaphore, #tpu.memory_space<semaphore_mem>>
          %dma_start3A = arith.constant 0 : i32
          %dma_start3A_95 = tpu.memref_slice %arg9[%mul3A_94, %dma_start3A] : memref<2000x32xf32, #tpu.memory_space<vmem>> -> memref<80x32xf32, #tpu.memory_space<vmem>>
          %dma_start3A_96 = arith.constant 0 : i32
          %dma_start3A_97 = tpu.memref_slice %arg8[%add3A_92, %dma_start3A_96] : memref<25x80xi32, #tpu.memory_space<vmem>> -> memref<1x80xi32, #tpu.memory_space<vmem>>
          %dma_start3A_98 = tpu.memref_squeeze %dma_start3A_97 : memref<1x80xi32, #tpu.memory_space<vmem>> -> memref<80xi32, #tpu.memory_space<vmem>>
          %dma_start3A_99 = arith.constant 0 : i32
          %dma_start3A_100 = arith.constant 0 : i32
          %dma_start3A_101 = tpu.memref_slice %arg10[%dma_start3A_99, %dma_start3A_100] : memref<10000x32xf32, #tpu.memory_space<vmem_shared>> -> memref<10000x32xf32, #tpu.memory_space<vmem_shared>>
          tpu.enqueue_indirect_dma source(%dma_start3A_95 : memref<80x32xf32, #tpu.memory_space<vmem>>) target(%dma_start3A_101 : memref<10000x32xf32, #tpu.memory_space<vmem_shared>>) offsets(%dma_start3A_98 : memref<80xi32, #tpu.memory_space<vmem>>) semaphore(%run_scoped3A : memref<!tpu.dma_semaphore, #tpu.memory_space<semaphore_mem>>) {add = true}
          %dma_wait3A = arith.constant 0 : i32
          %dma_wait3A_102 = tpu.memref_slice %arg9[%mul3A_94, %dma_wait3A] : memref<2000x32xf32, #tpu.memory_space<vmem>> -> memref<80x32xf32, #tpu.memory_space<vmem>>
          %dma_wait3A_103 = arith.constant 0 : i32
          %dma_wait3A_104 = tpu.memref_slice %arg8[%add3A_92, %dma_wait3A_103] : memref<25x80xi32, #tpu.memory_space<vmem>> -> memref<1x80xi32, #tpu.memory_space<vmem>>
          %dma_wait3A_105 = tpu.memref_squeeze %dma_wait3A_104 : memref<1x80xi32, #tpu.memory_space<vmem>> -> memref<80xi32, #tpu.memory_space<vmem>>
          %dma_wait3A_106 = arith.constant 0 : i32
          %dma_wait3A_107 = arith.constant 0 : i32
          %dma_wait3A_108 = tpu.memref_slice %arg10[%dma_wait3A_106, %dma_wait3A_107] : memref<10000x32xf32, #tpu.memory_space<vmem_shared>> -> memref<10000x32xf32, #tpu.memory_space<vmem_shared>>
          tpu.wait_indirect_dma semaphore(%run_scoped3A : memref<!tpu.dma_semaphore, #tpu.memory_space<semaphore_mem>>) src(%dma_wait3A_102 : memref<80x32xf32, #tpu.memory_space<vmem>>) dst(%dma_wait3A_108 : memref<10000x32xf32, #tpu.memory_space<vmem_shared>>)
          tpu.yield
        }) : () -> ()
        "tpu.region"() ({
          %run_scoped3A = tpu.sem_alloc : memref<!tpu.dma_semaphore, #tpu.memory_space<semaphore_mem>>
          %dma_start3A = arith.constant 0 : i32
          %dma_start3A_95 = tpu.memref_slice %arg9[%mul3A_94, %dma_start3A] : memref<2000x32xf32, #tpu.memory_space<vmem>> -> memref<80x32xf32, #tpu.memory_space<vmem>>
          %dma_start3A_96 = arith.constant 0 : i32
          %dma_start3A_97 = tpu.memref_slice %arg7[%add3A_92, %dma_start3A_96] : memref<25x80xi32, #tpu.memory_space<vmem>> -> memref<1x80xi32, #tpu.memory_space<vmem>>
          %dma_start3A_98 = tpu.memref_squeeze %dma_start3A_97 : memref<1x80xi32, #tpu.memory_space<vmem>> -> memref<80xi32, #tpu.memory_space<vmem>>
          %dma_start3A_99 = arith.constant 0 : i32
          %dma_start3A_100 = arith.constant 0 : i32
          %dma_start3A_101 = tpu.memref_slice %arg11[%dma_start3A_99, %dma_start3A_100] : memref<10000x32xf32, #tpu.memory_space<vmem_shared>> -> memref<10000x32xf32, #tpu.memory_space<vmem_shared>>
          tpu.enqueue_indirect_dma source(%dma_start3A_95 : memref<80x32xf32, #tpu.memory_space<vmem>>) target(%dma_start3A_101 : memref<10000x32xf32, #tpu.memory_space<vmem_shared>>) offsets(%dma_start3A_98 : memref<80xi32, #tpu.memory_space<vmem>>) semaphore(%run_scoped3A : memref<!tpu.dma_semaphore, #tpu.memory_space<semaphore_mem>>) {add = true}
          %dma_wait3A = arith.constant 0 : i32
          %dma_wait3A_102 = tpu.memref_slice %arg9[%mul3A_94, %dma_wait3A] : memref<2000x32xf32, #tpu.memory_space<vmem>> -> memref<80x32xf32, #tpu.memory_space<vmem>>
          %dma_wait3A_103 = arith.constant 0 : i32
          %dma_wait3A_104 = tpu.memref_slice %arg7[%add3A_92, %dma_wait3A_103] : memref<25x80xi32, #tpu.memory_space<vmem>> -> memref<1x80xi32, #tpu.memory_space<vmem>>
          %dma_wait3A_105 = tpu.memref_squeeze %dma_wait3A_104 : memref<1x80xi32, #tpu.memory_space<vmem>> -> memref<80xi32, #tpu.memory_space<vmem>>
          %dma_wait3A_106 = arith.constant 0 : i32
          %dma_wait3A_107 = arith.constant 0 : i32
          %dma_wait3A_108 = tpu.memref_slice %arg11[%dma_wait3A_106, %dma_wait3A_107] : memref<10000x32xf32, #tpu.memory_space<vmem_shared>> -> memref<10000x32xf32, #tpu.memory_space<vmem_shared>>
          tpu.wait_indirect_dma semaphore(%run_scoped3A : memref<!tpu.dma_semaphore, #tpu.memory_space<semaphore_mem>>) src(%dma_wait3A_102 : memref<80x32xf32, #tpu.memory_space<vmem>>) dst(%dma_wait3A_108 : memref<10000x32xf32, #tpu.memory_space<vmem_shared>>)
          tpu.yield
        }) : () -> ()
      }
      %scan3A_63 = arith.constant 5 : i32
    }
    %scan3A_39 = arith.constant 5 : i32
    %barrier3A_40 = arith.constant 0 : index
    tpu.barrier barrier_id(%barrier3A_40)
    %mul3A_41 = arith.constant 2 : i32
    %mul3A_42 = arith.muli %mul3A_41, %arg0 : i32
    "tpu.region"() ({
      %run_scoped3A = tpu.sem_alloc : memref<!tpu.dma_semaphore, #tpu.memory_space<semaphore_mem>>
      %dma_start3A = arith.constant 0 : i32
      %dma_start3A_47 = tpu.memref_slice %arg6[%mul3A_42, %mul3A_2, %dma_start3A] : memref<4x10000x32xf32, #tpu.memory_space<hbm>> -> memref<1x625x32xf32, #tpu.memory_space<hbm>>
      %dma_start3A_48 = tpu.memref_squeeze %dma_start3A_47 : memref<1x625x32xf32, #tpu.memory_space<hbm>> -> memref<625x32xf32, #tpu.memory_space<hbm>>
      %dma_start3A_49 = arith.constant 0 : i32
      %dma_start3A_50 = tpu.memref_slice %arg10[%mul3A_2, %dma_start3A_49] : memref<10000x32xf32, #tpu.memory_space<vmem_shared>> -> memref<625x32xf32, #tpu.memory_space<vmem_shared>>
      tpu.enqueue_dma source(%dma_start3A_50 : memref<625x32xf32, #tpu.memory_space<vmem_shared>>) target(%dma_start3A_48 : memref<625x32xf32, #tpu.memory_space<hbm>>) target_semaphore(%run_scoped3A : memref<!tpu.dma_semaphore, #tpu.memory_space<semaphore_mem>>)
      %dma_wait3A = arith.constant 0 : i32
      %dma_wait3A_51 = tpu.memref_slice %arg6[%mul3A_42, %mul3A_2, %dma_wait3A] : memref<4x10000x32xf32, #tpu.memory_space<hbm>> -> memref<1x625x32xf32, #tpu.memory_space<hbm>>
      %dma_wait3A_52 = tpu.memref_squeeze %dma_wait3A_51 : memref<1x625x32xf32, #tpu.memory_space<hbm>> -> memref<625x32xf32, #tpu.memory_space<hbm>>
      %dma_wait3A_53 = arith.constant 0 : i32
      %dma_wait3A_54 = tpu.memref_slice %arg10[%mul3A_2, %dma_wait3A_53] : memref<10000x32xf32, #tpu.memory_space<vmem_shared>> -> memref<625x32xf32, #tpu.memory_space<vmem_shared>>
      tpu.wait_dma2 semaphore(%run_scoped3A : memref<!tpu.dma_semaphore, #tpu.memory_space<semaphore_mem>>) src(%dma_wait3A_54 : memref<625x32xf32, #tpu.memory_space<vmem_shared>>) dst(%dma_wait3A_52 : memref<625x32xf32, #tpu.memory_space<hbm>>)
      tpu.yield
    }) : () -> ()
    %mul3A_43 = arith.constant 2 : i32
    %mul3A_44 = arith.muli %mul3A_43, %arg0 : i32
    %add3A_45 = arith.constant 1 : i32
    %add3A_46 = arith.addi %mul3A_44, %add3A_45 : i32
    "tpu.region"() ({
      %run_scoped3A = tpu.sem_alloc : memref<!tpu.dma_semaphore, #tpu.memory_space<semaphore_mem>>
      %dma_start3A = arith.constant 0 : i32
      %dma_start3A_47 = tpu.memref_slice %arg6[%add3A_46, %mul3A_2, %dma_start3A] : memref<4x10000x32xf32, #tpu.memory_space<hbm>> -> memref<1x625x32xf32, #tpu.memory_space<hbm>>
      %dma_start3A_48 = tpu.memref_squeeze %dma_start3A_47 : memref<1x625x32xf32, #tpu.memory_space<hbm>> -> memref<625x32xf32, #tpu.memory_space<hbm>>
      %dma_start3A_49 = arith.constant 0 : i32
      %dma_start3A_50 = tpu.memref_slice %arg11[%mul3A_2, %dma_start3A_49] : memref<10000x32xf32, #tpu.memory_space<vmem_shared>> -> memref<625x32xf32, #tpu.memory_space<vmem_shared>>
      tpu.enqueue_dma source(%dma_start3A_50 : memref<625x32xf32, #tpu.memory_space<vmem_shared>>) target(%dma_start3A_48 : memref<625x32xf32, #tpu.memory_space<hbm>>) target_semaphore(%run_scoped3A : memref<!tpu.dma_semaphore, #tpu.memory_space<semaphore_mem>>)
      %dma_wait3A = arith.constant 0 : i32
      %dma_wait3A_51 = tpu.memref_slice %arg6[%add3A_46, %mul3A_2, %dma_wait3A] : memref<4x10000x32xf32, #tpu.memory_space<hbm>> -> memref<1x625x32xf32, #tpu.memory_space<hbm>>
      %dma_wait3A_52 = tpu.memref_squeeze %dma_wait3A_51 : memref<1x625x32xf32, #tpu.memory_space<hbm>> -> memref<625x32xf32, #tpu.memory_space<hbm>>
      %dma_wait3A_53 = arith.constant 0 : i32
      %dma_wait3A_54 = tpu.memref_slice %arg11[%mul3A_2, %dma_wait3A_53] : memref<10000x32xf32, #tpu.memory_space<vmem_shared>> -> memref<625x32xf32, #tpu.memory_space<vmem_shared>>
      tpu.wait_dma2 semaphore(%run_scoped3A : memref<!tpu.dma_semaphore, #tpu.memory_space<semaphore_mem>>) src(%dma_wait3A_54 : memref<625x32xf32, #tpu.memory_space<vmem_shared>>) dst(%dma_wait3A_52 : memref<625x32xf32, #tpu.memory_space<hbm>>)
      tpu.yield
    }) : () -> ()
    return
  }
}

module attributes {stable_mosaic.version = 14 : i64} {
  func.func @_proj_body(%arg0: i32, %arg1: memref<2000x128xf32, #tpu.memory_space<vmem>>, %arg2: memref<128x32xf32, #tpu.memory_space<vmem>>, %arg3: memref<128x32xf32, #tpu.memory_space<vmem>>, %arg4: memref<2000x32xf32, #tpu.memory_space<vmem>>, %arg5: memref<2000x32xf32, #tpu.memory_space<vmem>>) attributes {dimension_semantics = [#tpu.dimension_semantics<arbitrary>], iteration_bounds = array<i64: 5>, scalar_prefetch = 0 : i64, scratch_operands = 0 : i64, tpu.core_type = #tpu.core_type<tc>, window_params = [{transform_indices = @transform_0, window_bounds = array<i64: 2000, 128>}, {pipeline_mode = #tpu.pipeline_mode<synchronous>, transform_indices = @transform_1, window_bounds = array<i64: 128, 32>}, {pipeline_mode = #tpu.pipeline_mode<synchronous>, transform_indices = @transform_2, window_bounds = array<i64: 128, 32>}, {transform_indices = @transform_3, window_bounds = array<i64: 2000, 32>}, {transform_indices = @transform_4, window_bounds = array<i64: 2000, 32>}]} {
    %get3A = arith.constant 0 : index
    %get3A_0 = arith.constant 0 : index
    %get3A_1 = vector.load %arg1[%get3A, %get3A_0] : memref<2000x128xf32, #tpu.memory_space<vmem>>, vector<2000x128xf32>
    %get3A_2 = arith.constant 0 : index
    %get3A_3 = arith.constant 0 : index
    %get3A_4 = vector.load %arg2[%get3A_2, %get3A_3] : memref<128x32xf32, #tpu.memory_space<vmem>>, vector<128x32xf32>
    %dot_general3A = arith.constant dense<0.000000e+00> : vector<2000x32xf32>
    %dot_general3A_5 = tpu.matmul %get3A_1, %get3A_4, %dot_general3A {dimension_numbers = #tpu.dot_dimension_numbers<[1], [0], [0], [1], [0, 0, 1, 1], [], []>, transpose_lhs_hint = false} : vector<2000x128xf32>, vector<128x32xf32>, vector<2000x32xf32> -> vector<2000x32xf32>
    %swap3A = arith.constant 0 : index
    %swap3A_6 = arith.constant 0 : index
    %swap3A_7 = vector.load %arg4[%swap3A, %swap3A_6] : memref<2000x32xf32, #tpu.memory_space<vmem>>, vector<2000x32xf32>
    tpu.vector_store %arg4[%swap3A, %swap3A_6], %dot_general3A_5 {strides = array<i32>} : memref<2000x32xf32, #tpu.memory_space<vmem>>, vector<2000x32xf32>,
    %get3A_8 = arith.constant 0 : index
    %get3A_9 = arith.constant 0 : index
    %get3A_10 = vector.load %arg3[%get3A_8, %get3A_9] : memref<128x32xf32, #tpu.memory_space<vmem>>, vector<128x32xf32>
    %dot_general3A_11 = arith.constant dense<0.000000e+00> : vector<2000x32xf32>
    %dot_general3A_12 = tpu.matmul %get3A_1, %get3A_10, %dot_general3A_11 {dimension_numbers = #tpu.dot_dimension_numbers<[1], [0], [0], [1], [0, 0, 1, 1], [], []>, transpose_lhs_hint = false} : vector<2000x128xf32>, vector<128x32xf32>, vector<2000x32xf32> -> vector<2000x32xf32>
    %swap3A_13 = arith.constant 0 : index
    %swap3A_14 = arith.constant 0 : index
    %swap3A_15 = vector.load %arg5[%swap3A_13, %swap3A_14] : memref<2000x32xf32, #tpu.memory_space<vmem>>, vector<2000x32xf32>
    tpu.vector_store %arg5[%swap3A_13, %swap3A_14], %dot_general3A_12 {strides = array<i32>} : memref<2000x32xf32, #tpu.memory_space<vmem>>, vector<2000x32xf32>,
    return
  }
  func.func @transform_0(%arg0: i32) -> (i32, i32) {
    %c0_i32 = arith.constant 0 : i32
    %c0_i32_0 = arith.constant 0 : i32
    return %arg0, %c0_i32 : i32, i32
  }
  func.func @transform_1(%arg0: i32) -> (i32, i32) {
    %c0_i32 = arith.constant 0 : i32
    %c0_i32_0 = arith.constant 0 : i32
    %c0_i32_1 = arith.constant 0 : i32
    return %c0_i32, %c0_i32_0 : i32, i32
  }
  func.func @transform_2(%arg0: i32) -> (i32, i32) {
    %c0_i32 = arith.constant 0 : i32
    %c0_i32_0 = arith.constant 0 : i32
    %c0_i32_1 = arith.constant 0 : i32
    return %c0_i32, %c0_i32_0 : i32, i32
  }
  func.func @transform_3(%arg0: i32) -> (i32, i32) {
    %c0_i32 = arith.constant 0 : i32
    %c0_i32_0 = arith.constant 0 : i32
    return %arg0, %c0_i32 : i32, i32
  }
  func.func @transform_4(%arg0: i32) -> (i32, i32) {
    %c0_i32 = arith.constant 0 : i32
    %c0_i32_0 = arith.constant 0 : i32
    return %arg0, %c0_i32 : i32, i32
  }
}

module attributes {stable_mosaic.version = 14 : i64} {
  func.func @_ewc_body(%arg0: i32, %arg1: memref<3x3200xf32, #tpu.memory_space<vmem>>, %arg2: memref<3x3200xf32, #tpu.memory_space<vmem>>, %arg3: memref<3x3200xf32, #tpu.memory_space<vmem>>, %arg4: memref<3x3200xf32, #tpu.memory_space<vmem>>, %arg5: memref<3x32xf32, #tpu.memory_space<vmem>>, %arg6: memref<3200x128xf32, #tpu.memory_space<vmem>>) attributes {dimension_semantics = [#tpu.dimension_semantics<arbitrary>], iteration_bounds = array<i64: 25>, scalar_prefetch = 0 : i64, scratch_operands = 0 : i64, tpu.core_type = #tpu.core_type<tc>, window_params = [{transform_indices = @transform_0, window_bounds = array<i64: 3, 3200>}, {transform_indices = @transform_1, window_bounds = array<i64: 3, 3200>}, {transform_indices = @transform_2, window_bounds = array<i64: 3, 3200>}, {transform_indices = @transform_3, window_bounds = array<i64: 3, 3200>}, {pipeline_mode = #tpu.pipeline_mode<synchronous>, transform_indices = @transform_4, window_bounds = array<i64: 3, 32>}, {transform_indices = @transform_5, window_bounds = array<i64: 3200, 128>}]} {
    %get3A = arith.constant 0 : index
    %get3A_0 = arith.constant 0 : index
    %get3A_1 = vector.load %arg5[%get3A, %get3A_0] : memref<3x32xf32, #tpu.memory_space<vmem>>, vector<3x32xf32>
    %get3A_2 = arith.constant 0 : index
    %get3A_3 = arith.constant 0 : index
    %get3A_4 = vector.load %arg1[%get3A_2, %get3A_3] : memref<3x3200xf32, #tpu.memory_space<vmem>>, vector<3x3200xf32>
    %dot_general3A = arith.constant dense<0.000000e+00> : vector<3200x32xf32>
    %dot_general3A_5 = tpu.matmul %get3A_4, %get3A_1, %dot_general3A {dimension_numbers = #tpu.dot_dimension_numbers<[0], [0], [1], [1], [0, 1, 1, 1], [], []>, transpose_lhs_hint = false} : vector<3x3200xf32>, vector<3x32xf32>, vector<3200x32xf32> -> vector<3200x32xf32>
    %get3A_6 = arith.constant 0 : index
    %get3A_7 = arith.constant 0 : index
    %get3A_8 = vector.load %arg2[%get3A_6, %get3A_7] : memref<3x3200xf32, #tpu.memory_space<vmem>>, vector<3x3200xf32>
    %dot_general3A_9 = arith.constant dense<0.000000e+00> : vector<3200x32xf32>
    %dot_general3A_10 = tpu.matmul %get3A_8, %get3A_1, %dot_general3A_9 {dimension_numbers = #tpu.dot_dimension_numbers<[0], [0], [1], [1], [0, 1, 1, 1], [], []>, transpose_lhs_hint = false} : vector<3x3200xf32>, vector<3x32xf32>, vector<3200x32xf32> -> vector<3200x32xf32>
    %get3A_11 = arith.constant 0 : index
    %get3A_12 = arith.constant 0 : index
    %get3A_13 = vector.load %arg3[%get3A_11, %get3A_12] : memref<3x3200xf32, #tpu.memory_space<vmem>>, vector<3x3200xf32>
    %dot_general3A_14 = arith.constant dense<0.000000e+00> : vector<3200x32xf32>
    %dot_general3A_15 = tpu.matmul %get3A_13, %get3A_1, %dot_general3A_14 {dimension_numbers = #tpu.dot_dimension_numbers<[0], [0], [1], [1], [0, 1, 1, 1], [], []>, transpose_lhs_hint = false} : vector<3x3200xf32>, vector<3x32xf32>, vector<3200x32xf32> -> vector<3200x32xf32>
    %get3A_16 = arith.constant 0 : index
    %get3A_17 = arith.constant 0 : index
    %get3A_18 = vector.load %arg4[%get3A_16, %get3A_17] : memref<3x3200xf32, #tpu.memory_space<vmem>>, vector<3x3200xf32>
    %dot_general3A_19 = arith.constant dense<0.000000e+00> : vector<3200x32xf32>
    %dot_general3A_20 = tpu.matmul %get3A_18, %get3A_1, %dot_general3A_19 {dimension_numbers = #tpu.dot_dimension_numbers<[0], [0], [1], [1], [0, 1, 1, 1], [], []>, transpose_lhs_hint = false} : vector<3x3200xf32>, vector<3x32xf32>, vector<3200x32xf32> -> vector<3200x32xf32>
    %concatenate3A = tpu.concatenate %dot_general3A_5, %dot_general3A_10, %dot_general3A_15, %dot_general3A_20 in 1 : vector<3200x32xf32>, vector<3200x32xf32>, vector<3200x32xf32>, vector<3200x32xf32> -> vector<3200x128xf32>
    %swap3A = arith.constant 0 : index
    %swap3A_21 = arith.constant 0 : index
    %swap3A_22 = vector.load %arg6[%swap3A, %swap3A_21] : memref<3200x128xf32, #tpu.memory_space<vmem>>, vector<3200x128xf32>
    tpu.vector_store %arg6[%swap3A, %swap3A_21], %concatenate3A {strides = array<i32>} : memref<3200x128xf32, #tpu.memory_space<vmem>>, vector<3200x128xf32>,
    return
  }
  func.func @transform_0(%arg0: i32) -> (i32, i32) {
    %c0_i32 = arith.constant 0 : i32
    %c0_i32_0 = arith.constant 0 : i32
    return %c0_i32, %arg0 : i32, i32
  }
  func.func @transform_1(%arg0: i32) -> (i32, i32) {
    %add3A = arith.constant 25 : i32
    %add3A_0 = arith.addi %arg0, %add3A : i32
    %c0_i32 = arith.constant 0 : i32
    %c0_i32_1 = arith.constant 0 : i32
    return %c0_i32, %add3A_0 : i32, i32
  }
  func.func @transform_2(%arg0: i32) -> (i32, i32) {
    %add3A = arith.constant 50 : i32
    %add3A_0 = arith.addi %arg0, %add3A : i32
    %c0_i32 = arith.constant 0 : i32
    %c0_i32_1 = arith.constant 0 : i32
    return %c0_i32, %add3A_0 : i32, i32
  }
  func.func @transform_3(%arg0: i32) -> (i32, i32) {
    %add3A = arith.constant 75 : i32
    %add3A_0 = arith.addi %arg0, %add3A : i32
    %c0_i32 = arith.constant 0 : i32
    %c0_i32_1 = arith.constant 0 : i32
    return %c0_i32, %add3A_0 : i32, i32
  }
  func.func @transform_4(%arg0: i32) -> (i32, i32) {
    %c0_i32 = arith.constant 0 : i32
    %c0_i32_0 = arith.constant 0 : i32
    %c0_i32_1 = arith.constant 0 : i32
    return %c0_i32, %c0_i32_0 : i32, i32
  }
  func.func @transform_5(%arg0: i32) -> (i32, i32) {
    %c0_i32 = arith.constant 0 : i32
    %c0_i32_0 = arith.constant 0 : i32
    return %arg0, %c0_i32 : i32, i32
  }
}

module attributes {stable_mosaic.version = 14 : i64} {
  func.func @_edge_body(%arg0: i32, %arg1: memref<4000x128xf32, #tpu.memory_space<vmem>>, %arg2: memref<4000x128xf32, #tpu.memory_space<vmem>>, %arg3: memref<4000x128xf32, #tpu.memory_space<vmem>>, %arg4: memref<1x128xf32, #tpu.memory_space<vmem>>, %arg5: memref<128x128xf32, #tpu.memory_space<vmem>>, %arg6: memref<1x128xf32, #tpu.memory_space<vmem>>, %arg7: memref<4000x128xf32, #tpu.memory_space<vmem>>) attributes {dimension_semantics = [#tpu.dimension_semantics<arbitrary>], iteration_bounds = array<i64: 20>, scalar_prefetch = 0 : i64, scratch_operands = 0 : i64, tpu.core_type = #tpu.core_type<tc>, window_params = [{transform_indices = @transform_0, window_bounds = array<i64: 4000, 128>}, {transform_indices = @transform_1, window_bounds = array<i64: 4000, 128>}, {transform_indices = @transform_2, window_bounds = array<i64: 4000, 128>}, {pipeline_mode = #tpu.pipeline_mode<synchronous>, transform_indices = @transform_3, window_bounds = array<i64: 1, 128>}, {pipeline_mode = #tpu.pipeline_mode<synchronous>, transform_indices = @transform_4, window_bounds = array<i64: 128, 128>}, {pipeline_mode = #tpu.pipeline_mode<synchronous>, transform_indices = @transform_5, window_bounds = array<i64: 1, 128>}, {transform_indices = @transform_6, window_bounds = array<i64: 4000, 128>}]} {
    %get3A = arith.constant 0 : index
    %get3A_0 = arith.constant 0 : index
    %get3A_1 = vector.load %arg1[%get3A, %get3A_0] : memref<4000x128xf32, #tpu.memory_space<vmem>>, vector<4000x128xf32>
    %get3A_2 = arith.constant 0 : index
    %get3A_3 = arith.constant 0 : index
    %get3A_4 = vector.load %arg2[%get3A_2, %get3A_3] : memref<4000x128xf32, #tpu.memory_space<vmem>>, vector<4000x128xf32>
    %add3A = arith.addf %get3A_1, %get3A_4 : vector<4000x128xf32>
    %get3A_5 = arith.constant 0 : index
    %get3A_6 = arith.constant 0 : index
    %get3A_7 = vector.load %arg3[%get3A_5, %get3A_6] : memref<4000x128xf32, #tpu.memory_space<vmem>>, vector<4000x128xf32>
    %add3A_8 = arith.addf %add3A, %get3A_7 : vector<4000x128xf32>
    %get3A_9 = arith.constant 0 : index
    %get3A_10 = arith.constant 0 : index
    %get3A_11 = vector.load %arg4[%get3A_9, %get3A_10] : memref<1x128xf32, #tpu.memory_space<vmem>>, vector<1x128xf32>
    %add3A_12 = vector.broadcast %get3A_11 : vector<1x128xf32> to vector<4000x128xf32>
    %add3A_13 = arith.addf %add3A_8, %add3A_12 : vector<4000x128xf32>
    %neg3A = arith.constant 0.000000e+00 : f32
    %neg3A_14 = vector.broadcast %neg3A : f32 to vector<4000x128xf32>
    %neg3A_15 = arith.subf %neg3A_14, %add3A_13 : vector<4000x128xf32>
    %exp3A = math.exp %neg3A_15 : vector<4000x128xf32>
    %add3A_16 = arith.constant 1.000000e+00 : f32
    %add3A_17 = vector.broadcast %add3A_16 : f32 to vector<4000x128xf32>
    %add3A_18 = arith.addf %add3A_17, %exp3A : vector<4000x128xf32>
    %div3A = arith.constant 1.000000e+00 : f32
    %div3A_19 = vector.broadcast %div3A : f32 to vector<4000x128xf32>
    %div3A_20 = arith.divf %div3A_19, %add3A_18 : vector<4000x128xf32>
    %get3A_21 = arith.constant 0 : index
    %get3A_22 = arith.constant 0 : index
    %get3A_23 = vector.load %arg5[%get3A_21, %get3A_22] : memref<128x128xf32, #tpu.memory_space<vmem>>, vector<128x128xf32>
    %dot_general3A = arith.constant dense<0.000000e+00> : vector<4000x128xf32>
    %dot_general3A_24 = tpu.matmul %div3A_20, %get3A_23, %dot_general3A {dimension_numbers = #tpu.dot_dimension_numbers<[1], [0], [0], [1], [0, 0, 1, 1], [], []>, transpose_lhs_hint = false} : vector<4000x128xf32>, vector<128x128xf32>, vector<4000x128xf32> -> vector<4000x128xf32>
    %get3A_25 = arith.constant 0 : index
    %get3A_26 = arith.constant 0 : index
    %get3A_27 = vector.load %arg6[%get3A_25, %get3A_26] : memref<1x128xf32, #tpu.memory_space<vmem>>, vector<1x128xf32>
    %add3A_28 = vector.broadcast %get3A_27 : vector<1x128xf32> to vector<4000x128xf32>
    %add3A_29 = arith.addf %dot_general3A_24, %add3A_28 : vector<4000x128xf32>
    %neg3A_30 = arith.constant 0.000000e+00 : f32
    %neg3A_31 = vector.broadcast %neg3A_30 : f32 to vector<4000x128xf32>
    %neg3A_32 = arith.subf %neg3A_31, %add3A_29 : vector<4000x128xf32>
    %exp3A_33 = math.exp %neg3A_32 : vector<4000x128xf32>
    %add3A_34 = arith.constant 1.000000e+00 : f32
    %add3A_35 = vector.broadcast %add3A_34 : f32 to vector<4000x128xf32>
    %add3A_36 = arith.addf %add3A_35, %exp3A_33 : vector<4000x128xf32>
    %div3A_37 = arith.constant 1.000000e+00 : f32
    %div3A_38 = vector.broadcast %div3A_37 : f32 to vector<4000x128xf32>
    %div3A_39 = arith.divf %div3A_38, %add3A_36 : vector<4000x128xf32>
    %swap3A = arith.constant 0 : index
    %swap3A_40 = arith.constant 0 : index
    %swap3A_41 = vector.load %arg7[%swap3A, %swap3A_40] : memref<4000x128xf32, #tpu.memory_space<vmem>>, vector<4000x128xf32>
    tpu.vector_store %arg7[%swap3A, %swap3A_40], %div3A_39 {strides = array<i32>} : memref<4000x128xf32, #tpu.memory_space<vmem>>, vector<4000x128xf32>,
    return
  }
  func.func @transform_0(%arg0: i32) -> (i32, i32) {
    %c0_i32 = arith.constant 0 : i32
    %c0_i32_0 = arith.constant 0 : i32
    return %arg0, %c0_i32 : i32, i32
  }
  func.func @transform_1(%arg0: i32) -> (i32, i32) {
    %c0_i32 = arith.constant 0 : i32
    %c0_i32_0 = arith.constant 0 : i32
    return %arg0, %c0_i32 : i32, i32
  }
  func.func @transform_2(%arg0: i32) -> (i32, i32) {
    %c0_i32 = arith.constant 0 : i32
    %c0_i32_0 = arith.constant 0 : i32
    return %arg0, %c0_i32 : i32, i32
  }
  func.func @transform_3(%arg0: i32) -> (i32, i32) {
    %c0_i32 = arith.constant 0 : i32
    %c0_i32_0 = arith.constant 0 : i32
    %c0_i32_1 = arith.constant 0 : i32
    return %c0_i32, %c0_i32_0 : i32, i32
  }
  func.func @transform_4(%arg0: i32) -> (i32, i32) {
    %c0_i32 = arith.constant 0 : i32
    %c0_i32_0 = arith.constant 0 : i32
    %c0_i32_1 = arith.constant 0 : i32
    return %c0_i32, %c0_i32_0 : i32, i32
  }
  func.func @transform_5(%arg0: i32) -> (i32, i32) {
    %c0_i32 = arith.constant 0 : i32
    %c0_i32_0 = arith.constant 0 : i32
    %c0_i32_1 = arith.constant 0 : i32
    return %c0_i32, %c0_i32_0 : i32, i32
  }
  func.func @transform_6(%arg0: i32) -> (i32, i32) {
    %c0_i32 = arith.constant 0 : i32
    %c0_i32_0 = arith.constant 0 : i32
    return %arg0, %c0_i32 : i32, i32
  }
}

module attributes {stable_mosaic.version = 14 : i64} {
  func.func @_node_body(%arg0: i32, %arg1: memref<4x2500x128xf32, #tpu.memory_space<vmem>>, %arg2: memref<32x128xf32, #tpu.memory_space<vmem>>, %arg3: memref<1x128xf32, #tpu.memory_space<vmem>>, %arg4: memref<2500x512xf32, #tpu.memory_space<vmem>>) attributes {dimension_semantics = [#tpu.dimension_semantics<arbitrary>], iteration_bounds = array<i64: 1>, scalar_prefetch = 0 : i64, scratch_operands = 0 : i64, tpu.core_type = #tpu.core_type<tc>, window_params = [{transform_indices = @transform_0, window_bounds = array<i64: 4, 2500, 128>}, {pipeline_mode = #tpu.pipeline_mode<synchronous>, transform_indices = @transform_1, window_bounds = array<i64: 32, 128>}, {pipeline_mode = #tpu.pipeline_mode<synchronous>, transform_indices = @transform_2, window_bounds = array<i64: 1, 128>}, {transform_indices = @transform_3, window_bounds = array<i64: 2500, 512>}]} {
    %get3A = arith.constant 0 : index
    %get3A_0 = arith.constant 0 : index
    %get3A_1 = arith.constant 0 : index
    %get3A_2 = vector.load %arg1[%get3A, %get3A_0, %get3A_1] : memref<4x2500x128xf32, #tpu.memory_space<vmem>>, vector<4x2500x128xf32>
    %slice3A = vector.extract_strided_slice %get3A_2 {offsets = [0, 0, 0], sizes = [1, 2500, 128], strides = [1, 1, 1]} : vector<4x2500x128xf32> to vector<1x2500x128xf32>
    %squeeze3A = vector.shape_cast %slice3A : vector<1x2500x128xf32> to vector<2500x128xf32>
    %slice3A_3 = vector.extract_strided_slice %get3A_2 {offsets = [2, 0, 0], sizes = [1, 2500, 128], strides = [1, 1, 1]} : vector<4x2500x128xf32> to vector<1x2500x128xf32>
    %squeeze3A_4 = vector.shape_cast %slice3A_3 : vector<1x2500x128xf32> to vector<2500x128xf32>
    %add3A = arith.addf %squeeze3A, %squeeze3A_4 : vector<2500x128xf32>
    %slice3A_5 = vector.extract_strided_slice %get3A_2 {offsets = [1, 0, 0], sizes = [1, 2500, 128], strides = [1, 1, 1]} : vector<4x2500x128xf32> to vector<1x2500x128xf32>
    %squeeze3A_6 = vector.shape_cast %slice3A_5 : vector<1x2500x128xf32> to vector<2500x128xf32>
    %slice3A_7 = vector.extract_strided_slice %get3A_2 {offsets = [3, 0, 0], sizes = [1, 2500, 128], strides = [1, 1, 1]} : vector<4x2500x128xf32> to vector<1x2500x128xf32>
    %squeeze3A_8 = vector.shape_cast %slice3A_7 : vector<1x2500x128xf32> to vector<2500x128xf32>
    %add3A_9 = arith.addf %squeeze3A_6, %squeeze3A_8 : vector<2500x128xf32>
    %sub3A = arith.subf %add3A, %add3A_9 : vector<2500x128xf32>
    %get3A_10 = arith.constant 0 : index
    %get3A_11 = arith.constant 0 : index
    %get3A_12 = vector.load %arg2[%get3A_10, %get3A_11] : memref<32x128xf32, #tpu.memory_space<vmem>>, vector<32x128xf32>
    %get3A_13 = arith.constant 0 : index
    %get3A_14 = arith.constant 0 : index
    %get3A_15 = vector.load %arg3[%get3A_13, %get3A_14] : memref<1x128xf32, #tpu.memory_space<vmem>>, vector<1x128xf32>
    %slice3A_16 = vector.extract_strided_slice %sub3A {offsets = [0, 0], sizes = [2500, 32], strides = [1, 1]} : vector<2500x128xf32> to vector<2500x32xf32>
    %dot_general3A = arith.constant dense<0.000000e+00> : vector<2500x128xf32>
    %dot_general3A_17 = tpu.matmul %slice3A_16, %get3A_12, %dot_general3A {dimension_numbers = #tpu.dot_dimension_numbers<[1], [0], [0], [1], [0, 0, 1, 1], [], []>, transpose_lhs_hint = false} : vector<2500x32xf32>, vector<32x128xf32>, vector<2500x128xf32> -> vector<2500x128xf32>
    %add3A_18 = vector.broadcast %get3A_15 : vector<1x128xf32> to vector<2500x128xf32>
    %add3A_19 = arith.addf %dot_general3A_17, %add3A_18 : vector<2500x128xf32>
    %neg3A = arith.constant 0.000000e+00 : f32
    %neg3A_20 = vector.broadcast %neg3A : f32 to vector<2500x128xf32>
    %neg3A_21 = arith.subf %neg3A_20, %add3A_19 : vector<2500x128xf32>
    %exp3A = math.exp %neg3A_21 : vector<2500x128xf32>
    %add3A_22 = arith.constant 1.000000e+00 : f32
    %add3A_23 = vector.broadcast %add3A_22 : f32 to vector<2500x128xf32>
    %add3A_24 = arith.addf %add3A_23, %exp3A : vector<2500x128xf32>
    %div3A = arith.constant 1.000000e+00 : f32
    %div3A_25 = vector.broadcast %div3A : f32 to vector<2500x128xf32>
    %div3A_26 = arith.divf %div3A_25, %add3A_24 : vector<2500x128xf32>
    %slice3A_27 = vector.extract_strided_slice %sub3A {offsets = [0, 32], sizes = [2500, 32], strides = [1, 1]} : vector<2500x128xf32> to vector<2500x32xf32>
    %dot_general3A_28 = arith.constant dense<0.000000e+00> : vector<2500x128xf32>
    %dot_general3A_29 = tpu.matmul %slice3A_27, %get3A_12, %dot_general3A_28 {dimension_numbers = #tpu.dot_dimension_numbers<[1], [0], [0], [1], [0, 0, 1, 1], [], []>, transpose_lhs_hint = false} : vector<2500x32xf32>, vector<32x128xf32>, vector<2500x128xf32> -> vector<2500x128xf32>
    %add3A_30 = vector.broadcast %get3A_15 : vector<1x128xf32> to vector<2500x128xf32>
    %add3A_31 = arith.addf %dot_general3A_29, %add3A_30 : vector<2500x128xf32>
    %neg3A_32 = arith.constant 0.000000e+00 : f32
    %neg3A_33 = vector.broadcast %neg3A_32 : f32 to vector<2500x128xf32>
    %neg3A_34 = arith.subf %neg3A_33, %add3A_31 : vector<2500x128xf32>
    %exp3A_35 = math.exp %neg3A_34 : vector<2500x128xf32>
    %add3A_36 = arith.constant 1.000000e+00 : f32
    %add3A_37 = vector.broadcast %add3A_36 : f32 to vector<2500x128xf32>
    %add3A_38 = arith.addf %add3A_37, %exp3A_35 : vector<2500x128xf32>
    %div3A_39 = arith.constant 1.000000e+00 : f32
    %div3A_40 = vector.broadcast %div3A_39 : f32 to vector<2500x128xf32>
    %div3A_41 = arith.divf %div3A_40, %add3A_38 : vector<2500x128xf32>
    %slice3A_42 = vector.extract_strided_slice %sub3A {offsets = [0, 64], sizes = [2500, 32], strides = [1, 1]} : vector<2500x128xf32> to vector<2500x32xf32>
    %dot_general3A_43 = arith.constant dense<0.000000e+00> : vector<2500x128xf32>
    %dot_general3A_44 = tpu.matmul %slice3A_42, %get3A_12, %dot_general3A_43 {dimension_numbers = #tpu.dot_dimension_numbers<[1], [0], [0], [1], [0, 0, 1, 1], [], []>, transpose_lhs_hint = false} : vector<2500x32xf32>, vector<32x128xf32>, vector<2500x128xf32> -> vector<2500x128xf32>
    %add3A_45 = vector.broadcast %get3A_15 : vector<1x128xf32> to vector<2500x128xf32>
    %add3A_46 = arith.addf %dot_general3A_44, %add3A_45 : vector<2500x128xf32>
    %neg3A_47 = arith.constant 0.000000e+00 : f32
    %neg3A_48 = vector.broadcast %neg3A_47 : f32 to vector<2500x128xf32>
    %neg3A_49 = arith.subf %neg3A_48, %add3A_46 : vector<2500x128xf32>
    %exp3A_50 = math.exp %neg3A_49 : vector<2500x128xf32>
    %add3A_51 = arith.constant 1.000000e+00 : f32
    %add3A_52 = vector.broadcast %add3A_51 : f32 to vector<2500x128xf32>
    %add3A_53 = arith.addf %add3A_52, %exp3A_50 : vector<2500x128xf32>
    %div3A_54 = arith.constant 1.000000e+00 : f32
    %div3A_55 = vector.broadcast %div3A_54 : f32 to vector<2500x128xf32>
    %div3A_56 = arith.divf %div3A_55, %add3A_53 : vector<2500x128xf32>
    %slice3A_57 = vector.extract_strided_slice %sub3A {offsets = [0, 96], sizes = [2500, 32], strides = [1, 1]} : vector<2500x128xf32> to vector<2500x32xf32>
    %dot_general3A_58 = arith.constant dense<0.000000e+00> : vector<2500x128xf32>
    %dot_general3A_59 = tpu.matmul %slice3A_57, %get3A_12, %dot_general3A_58 {dimension_numbers = #tpu.dot_dimension_numbers<[1], [0], [0], [1], [0, 0, 1, 1], [], []>, transpose_lhs_hint = false} : vector<2500x32xf32>, vector<32x128xf32>, vector<2500x128xf32> -> vector<2500x128xf32>
    %add3A_60 = vector.broadcast %get3A_15 : vector<1x128xf32> to vector<2500x128xf32>
    %add3A_61 = arith.addf %dot_general3A_59, %add3A_60 : vector<2500x128xf32>
    %neg3A_62 = arith.constant 0.000000e+00 : f32
    %neg3A_63 = vector.broadcast %neg3A_62 : f32 to vector<2500x128xf32>
    %neg3A_64 = arith.subf %neg3A_63, %add3A_61 : vector<2500x128xf32>
    %exp3A_65 = math.exp %neg3A_64 : vector<2500x128xf32>
    %add3A_66 = arith.constant 1.000000e+00 : f32
    %add3A_67 = vector.broadcast %add3A_66 : f32 to vector<2500x128xf32>
    %add3A_68 = arith.addf %add3A_67, %exp3A_65 : vector<2500x128xf32>
    %div3A_69 = arith.constant 1.000000e+00 : f32
    %div3A_70 = vector.broadcast %div3A_69 : f32 to vector<2500x128xf32>
    %div3A_71 = arith.divf %div3A_70, %add3A_68 : vector<2500x128xf32>
    %concatenate3A = tpu.concatenate %div3A_26, %div3A_41, %div3A_56, %div3A_71 in 1 : vector<2500x128xf32>, vector<2500x128xf32>, vector<2500x128xf32>, vector<2500x128xf32> -> vector<2500x512xf32>
    %swap3A = arith.constant 0 : index
    %swap3A_72 = arith.constant 0 : index
    %swap3A_73 = vector.load %arg4[%swap3A, %swap3A_72] : memref<2500x512xf32, #tpu.memory_space<vmem>>, vector<2500x512xf32>
    tpu.vector_store %arg4[%swap3A, %swap3A_72], %concatenate3A {strides = array<i32>} : memref<2500x512xf32, #tpu.memory_space<vmem>>, vector<2500x512xf32>,
    return
  }
  func.func @transform_0(%arg0: i32) -> (i32, i32, i32) {
    %c0_i32 = arith.constant 0 : i32
    %c0_i32_0 = arith.constant 0 : i32
    %c0_i32_1 = arith.constant 0 : i32
    return %c0_i32, %arg0, %c0_i32_0 : i32, i32, i32
  }
  func.func @transform_1(%arg0: i32) -> (i32, i32) {
    %c0_i32 = arith.constant 0 : i32
    %c0_i32_0 = arith.constant 0 : i32
    %c0_i32_1 = arith.constant 0 : i32
    return %c0_i32, %c0_i32_0 : i32, i32
  }
  func.func @transform_2(%arg0: i32) -> (i32, i32) {
    %c0_i32 = arith.constant 0 : i32
    %c0_i32_0 = arith.constant 0 : i32
    %c0_i32_1 = arith.constant 0 : i32
    return %c0_i32, %c0_i32_0 : i32, i32
  }
  func.func @transform_3(%arg0: i32) -> (i32, i32) {
    %c0_i32 = arith.constant 0 : i32
    %c0_i32_0 = arith.constant 0 : i32
    return %arg0, %c0_i32 : i32, i32
  }
}

</mosaic_0001>

<sc_bundles>
// kernel: kernel.7.cloned.1.call-start
scs
__scs_entry_jumppad:
0x0: {  	(pc) =	sbr.rel $0x88, $3  }
0x1: {  	(tag) =	ssettag $0x0;
	lr =	simm.s32 $0x1  }
0x2: {  	[smem:$0x3F98] =	sst lr;
	_ =	strace $0xD0000000  }
0x3: {  	_ = 	snop  }
0x4: {  	_ = 	snop  }
0x5: {  	_ = 	snop  }
0x6: {  	_ = 	snop  }
0x7: {  	_ = 	snop  }
__scs_overlays_trampoline_lowered:
0x8: {  	[smem:$0x3FA7] =	sst s0  }
0x9: {  	[smem:$0x3FA8] =	sst s1  }
0xa: {  	[smem:$0x3FA9] =	sst s2  }
0xb: {  	[smem:$0x3FAA] =	sst s3  }
0xc: {  	[smem:$0x3FAB] =	sst s4  }
0xd: {  	[smem:$0x3FAC] =	sst s5  }
0xe: {  	[smem:$0x3FAD] =	sst s6  }
0xf: {  	[smem:$0x3FAE] =	sst s7  }
0x10: {  	[smem:$0x3FAF] =	sst s8  }
0x11: {  	[smem:$0x3FB0] =	sst s9;
	s0 =	simm.s32 @!p0 $0x0  }
0x12: {  	s1 =	sld [smem:$0x3F96];
	s0 =	simm.s32 @p0 $0x1  }
0x13: {  	[smem:$0x3FB1] =	sst s0;
	s0 =	simm.s32 @!p1 $0x0  }
0x14: {  	s2 =	sld [smem:$0x3F95];
	s0 =	simm.s32 @p1 $0x1  }
0x15: {  	[smem:$0x3FB2] =	sst s0;
	s0 =	simm.s32 @!p2 $0x0  }
0x16: {  	s3 =	sld [smem:$0x3FDB];
	s0 =	simm.s32 @p2 $0x1  }
0x17: {  	s4 =	simm.s32 $0x1BF5;
	[smem:$0x3FB4] =	sst s0  }
0x18: {  	s0 =	sld [smem:$0x3F97];
	_ =	swait.ge [sflag:s4], $0x0  }
0x19: {  	s7 =	sld [smem:$0x3F98]  }
0x1a: {  	s8 =	sadd.s32 $0xFFFFE003, lr  }
0x1b: {  	s9 =	sadd.s32 $0xFFFFFEF7, lr;
	s5 =	simm.s32 $0xFFFFFFFF;
	p2 =	slt.u32 s8, $0xFFFFF086  }
0x1c: {  	p1 =	slt.u32 s9, $0xF7A;
	s5 =	simm.s32 @!p2 $0x0  }
0x1d: {  	s5 =	simm.s32 @p1 $0x1;
	p0 =	seq.s32 s7, s2  }
0x1e: {  	s7 =	smul.u32 @!p0 $0xF7A, s2;
	p2 =	seq.s32 @!p0 s5, $0x0  }
0x1f: {  	s9 =	smul.u32 $0xF7A, s1;
	s8 =	simm.s32 @!p0 $0x1BF5;
	p2 =	por !p2, p0  }
0x20: {  	[sflag:s8] =	ssyncset.s32 @!p0 $0xFFFFF086;
	s6 =	sadd.s32 @!p0 s3, s7;
	s7 =	simm.s32 @!p0 $0x108  }
0x21: {  	s3 =	sadd.s32 s3, s9;
	s6 =	sadd.s32 @!p0 $0x88, s6;
	s7 =	simm.s32 @p2 $0x1082  }
0x22: {  	[simem:s7], [sflag:s8] =	dma.local @!p0 [hbm:s6], $0xF7A  }
0x23: {  	s9 =	sor.u32 $0xD0000000, s2;
	s6 =	simm.s32 $0x108;
	_ =	swait.ge @!p0 [sflag:s8], $0x0  }
0x24: {  	s3 =	sadd.s32 $0x88, s3;
	s6 =	simm.s32 @!p1 $0x1082;
	[sflag:s4] =	ssyncset.s32 $0xFFFFF086  }
0x25: {  	[simem:s6], [sflag:s4] =	dma.local [hbm:s3], $0xF7A  }
0x26: {  	[smem:$0x3F98] =	sst s1;
	(tag) =	ssettag s2;
	_ =	strace s9  }
0x27: {  	s1 =	sld [smem:$0x3FA8]  }
0x28: {  	s2 =	sld [smem:$0x3FA9]  }
0x29: {  	s4 =	sld [smem:$0x3FAB]  }
0x2a: {  	p0 =	seq.s32 s5, $0x0;
	s5 =	sld [smem:$0x3FAC]  }
0x2b: {  	s6 =	sld [smem:$0x3FAD]  }
0x2c: {  	s7 =	sld [smem:$0x3FAE]  }
0x2d: {  	s3 =	simm.s32 $0x108;
	s8 =	sld [smem:$0x3FAF]  }
0x2e: {  	s3 =	simm.s32 @!p0 $0x1082;
	s9 =	sld [smem:$0x3FB0]  }
0x2f: {  	lr =	sadd.s32 s0, s3;
	s0 =	sld [smem:$0x3FA7]  }
0x30: {  	s3 =	sld [smem:$0x3FAA]  }
0x31: {  	[smem:$0x3FB3] =	sst s10  }
0x32: {  	s10 =	sld [smem:$0x3FB1];
	_ =	sdelay $0x3  }
0x33: {  	p0 =	seq.s32 s10, $0x1;
	s10 =	sld [smem:$0x3FB3];
	_ =	sdelay $0x3  }
0x34: {  	[smem:$0x3FB3] =	sst s10  }
0x35: {  	s10 =	sld [smem:$0x3FB2];
	_ =	sdelay $0x3  }
0x36: {  	p1 =	seq.s32 s10, $0x1;
	s10 =	sld [smem:$0x3FB3];
	_ =	sdelay $0x3  }
0x37: {  	[smem:$0x3FB3] =	sst s10  }
0x38: {  	s10 =	sld [smem:$0x3FB4]  }
0x39: {  	_ = 	snop;
	(pc) =	sbr.ind lr, $3  }
0x3a: {  	_ = 	snop  }
0x3b: {  	_ = 	snop  }
0x3c: {  	p2 =	seq.s32 s10, $0x1;
	s10 =	sld [smem:$0x3FB3]  }
0x3d: {  	_ =	shalt  }
0x3e: {  	_ =	shalt  }
0x3f: {  	_ =	shalt  }
0x40: {  	_ =	shalt  }
0x41: {  	_ =	shalt  }
0x42: {  	_ =	shalt  }
0x43: {  	_ =	shalt  }
0x44: {  	_ =	shalt  }
0x45: {  	_ =	shalt  }
0x46: {  	_ =	shalt  }
0x47: {  	_ =	shalt  }
0x48: {  	_ =	shalt  }
0x49: {  	_ =	shalt  }
0x4a: {  	_ =	shalt  }
0x4b: {  	_ =	shalt  }
0x4c: {  	_ =	shalt  }
0x4d: {  	_ =	shalt  }
0x4e: {  	_ =	shalt  }
0x4f: {  	_ =	shalt  }
0x50: {  	_ =	shalt  }
0x51: {  	_ =	shalt  }
0x52: {  	_ =	shalt  }
0x53: {  	_ =	shalt  }
0x54: {  	_ =	shalt  }
0x55: {  	_ =	shalt  }
0x56: {  	_ =	shalt  }
0x57: {  	_ =	shalt  }
0x58: {  	_ =	shalt  }
0x59: {  	_ =	shalt  }
0x5a: {  	_ =	shalt  }
0x5b: {  	_ =	shalt  }
0x5c: {  	_ =	shalt  }
0x5d: {  	_ =	shalt  }
0x5e: {  	_ =	shalt  }
0x5f: {  	_ =	shalt  }
0x60: {  	_ =	shalt  }
0x61: {  	_ =	shalt  }
0x62: {  	_ =	shalt  }
0x63: {  	_ =	shalt  }
0x64: {  	_ =	shalt  }
0x65: {  	_ =	shalt  }
0x66: {  	_ =	shalt  }
0x67: {  	_ =	shalt  }
0x68: {  	_ =	shalt  }
0x69: {  	_ =	shalt  }
0x6a: {  	_ =	shalt  }
0x6b: {  	_ =	shalt  }
0x6c: {  	_ =	shalt  }
0x6d: {  	_ =	shalt  }
0x6e: {  	_ =	shalt  }
0x6f: {  	_ =	shalt  }
0x70: {  	_ =	shalt  }
0x71: {  	_ =	shalt  }
0x72: {  	_ =	shalt  }
0x73: {  	_ =	shalt  }
0x74: {  	_ =	shalt  }
0x75: {  	_ =	shalt  }
0x76: {  	_ =	shalt  }
0x77: {  	_ =	shalt  }
0x78: {  	_ =	shalt  }
0x79: {  	_ =	shalt  }
0x7a: {  	_ =	shalt  }
0x7b: {  	_ =	shalt  }
0x7c: {  	_ =	shalt  }
0x7d: {  	_ =	shalt  }
0x7e: {  	_ =	shalt  }
0x7f: {  	_ =	shalt  }
0x80: {  	_ =	shalt  }
0x81: {  	_ =	shalt  }
0x82: {  	_ =	shalt  }
0x83: {  	_ =	shalt  }
0x84: {  	_ =	shalt  }
0x85: {  	_ =	shalt  }
0x86: {  	_ =	shalt  }
0x87: {  	_ =	shalt  }
.Lfunc_end0:
.L_simem_size_0:
called_computation_lowered:
.L_overlay_start_0:
0x88: {  	s2 =	sld [smem:$0x3FD9]  }
0x89: {  	s3 =	sld [smem:$0x3FFE];
	_ =	sdelay $0x1  }
0x8a: {  	s1 =	srdreg.scid  }
0x8b: {  	s0 =	sand.u32 $0x1, s1  }
0x8c: {  	s17 =	sshll.u32 s0, $0xA;
	s2 =	sadd.s32 s3, s2  }
0x8d: {  	s2 =	sadd.s32 s2, s17  }
0x8e: {  	[smem:$0x3FBF] =	sst s2  }
0x8f: {  	_ = 	snop  }
0x90: {  	s2 =	sld [smem:$0x3FD0];
	(tm) =	ssettm $0x1  }
0x91: {  	s18 =	sld [smem:$0x3FFB];
	_ =	sdelay $0x3  }
0x92: {  	_ =	strace s18  }
0x93: {  	s3 =	sld [smem:$0x3FFC];
	_ =	sdelay $0x3  }
0x94: {  	_ =	strace s3  }
0x95: {  	s3 =	sld [smem:$0x3FFD];
	_ =	sdelay $0x3  }
0x96: {  	_ =	strace s3  }
0x97: {  	_ =	strace $0x8FFFFFFF  }
0x98: {  	s19 =	sld [smem:$0x3FDB];
	_ =	sdelay $0x1  }
0x99: {  	s4 =	simm.s32 $_scs_section_size  }
0x9a: {  	s5 =	simm.s32 $_size__tile_overlayer_lowered;
	s6 =	simm.s32 $_tile_overlayer_lowered  }
0x9b: {  	s22 =	simm.s32 $0x1BFF;
	s21 =	sshll.u32 s6, $0x1;
	s3 =	sadd.s32 s4, s19  }
0x9c: {  	s7 =	simm.s32 $0x0;
	s20 =	sshll.u32 s5, $0x1;
	s5 =	sadd.s32 s21, s3  }
0x9d: {  	[timem:s7], [sflag:s22] =	dma.local [hbm:s5], s20  }
0x9e: {  	_ =	swait.ge [sflag:s22], s20  }
0x9f: {  	s4 =	ssub.s32 $0x0, s20;
	[sflag:s22] =	ssyncset.done $0x0  }
0xa0: {  	[sflag:s22] =	ssyncadd.s32 s4;
	_ =	sdelay $0x1  }
0xa1: {  	s23 =	simm.s32 $0x1B8B  }
0xa2: {  	_ =	swait.ge [sflag:s23], $0x1  }
0xa3: {  	[sflag:s23] =	ssyncset.done $0x0  }
0xa4: {  	s25 =	simm.s32 $0x1B8E;
	s24 =	sld [smem:$0x3FFE];
	[sflag:s23] =	ssyncadd.s32 $0xFFFFFFFF  }
0xa5: {  	s26 =	simm.s32 $execute0_lowered;
	[smem:$0x3FD2] =	sst s25  }
0xa6: {  	s5 =	sshll.u32 s26, $0x1;
	_ =	strace $0x80000046;
	[dreg:$0x1] =	wrdreg $0xFFFFFFFF  }
0xa7: {  	s28 =	simm.s32 $_size_execute0_lowered;
	s3 =	sadd.s32 s3, s5;
	[dreg:$0x0] =	wrdreg $0x0  }
0xa8: {  	s5 =	sshll.u32 s28, $0x1;
	[dreg:$0x2] =	wrdreg s3  }
0xa9: {  	[dreg:$0x3] =	wrdreg s5  }
0xaa: {  	[dreg:$0x4] =	wrdreg $0xC0  }
0xab: {  	_ =	task [dreg:s7], $0x5FFFF  }
0xac: {  	[dreg:$0x1] =	wrdreg $0xFFFFFFFF  }
0xad: {  	[dreg:$0x0] =	wrdreg $0x60  }
0xae: {  	[dreg:$0x2] =	wrdreg s24  }
0xaf: {  	[dreg:$0x3] =	wrdreg s2  }
0xb0: {  	[dreg:$0x4] =	wrdreg $0x9  }
0xb1: {  	_ =	task.clear_ibuf [dreg:s7], $0x5FFFF;
	_ =	strace $0x90000046  }
0xb2: {  	s29 =	simm.s32 $0x9;
	_ =	strace $0x80000048  }
0xb3: {  	_ =	swait.ge [sflag:s29], $0x1  }
0xb4: {  	[sflag:s29] =	ssyncadd.s32 $0xFFFFFFFF  }
0xb5: {  	_ =	strace $0x90000048  }
0xb6: {  	_ =	sfence  }
0xb7: {  	s30 =	sld [smem:$0x0];
	_ =	sdelay $0x2  }
0xb8: {  	s31 =	sshll.u32 s1, $0xD;
	s1 =	sshrl.u32 s1, $0x2  }
0xb9: {  	s3 =	sand.u32 $0x4000, s31;
	s1 =	sadd.s32 s1, s30  }
0xba: {  	s0 =	sor.u32 s3, s0;
	s1 =	sshll.u32 s1, $0x11  }
0xbb: {  	s0 =	sor.u32 s1, s0  }
0xbc: {  	s0 =	sadd.s32 $0x8F2B, s0  }
0xbd: {  	[sflag:s0] =	ssyncadd.remote.s32 $0x1  }
0xbe: {  	_ =	sfence.sel $0xFFFF  }
0xbf: {  	[dreg:$0x0] =	wrdreg $0xFFFFFFFF;
	(pc) =	sbr.abs _section_cstart, $3  }
0xc0: {  	[dreg:$0x1] =	wrdreg $0xFFFFFFFF  }
0xc1: {  	_ =	task.clear_ibuf [dreg:s7], $0x2FFFF;
	_ =	strace $0x9FFFFFFF  }
0xc2: {  	(tm) =	ssettm $0x7FFFFFFF  }
0xc3: {  	_ =	shalt  }
tec
execute0_lowered:
.L_overlay_start_1:
0x0: {  	(tag) =	ssettag $0x1  }
0x1: {  	s4 =	rddreg [dreg:$0x0]  }
0x2: {  	s0 =	rddreg [dreg:$0x1];
	s12 =	simm.s32 $0x0  }
0x3: {  	[smem:$0x7FF] =	sst s12;
	s6 =	sadd.s32 $0x15200, s4  }
0x4: {  	s15 =	sadd.s32 $0x14DA00, s4;
	_ =	strace $0x80000047;
	[dreg:$0x3] =	wrdreg s6  }
0x5: {  	s18 =	simm.s32 $0xCD0;
	[dreg:$0x4] =	wrdreg s15  }
0x6: {  	s19 =	simm.s32 $0x410;
	[dreg:$0x7] =	wrdreg s18  }
0x7: {  	s20 =	simm.s32 $0x89D0;
	[dreg:$0x8] =	wrdreg s19  }
0x8: {  	s21 =	simm.s32 $0x50;
	[dreg:$0x9] =	wrdreg s20  }
0x9: {  	s22 =	simm.s32 $0x11D0;
	[dreg:$0xa] =	wrdreg s21  }
0xa: {  	s23 =	simm.s32 $0x438;
	[dreg:$0xb] =	wrdreg s22  }
0xb: {  	s24 =	simm.s32 $0x8ED0;
	[dreg:$0xc] =	wrdreg s23  }
0xc: {  	s25 =	simm.s32 $0x78;
	[dreg:$0xd] =	wrdreg s24  }
0xd: {  	s26 =	simm.s32 $0x16D0;
	[dreg:$0xe] =	wrdreg s25  }
0xe: {  	s28 =	simm.s32 $0x460;
	[dreg:$0xf] =	wrdreg s26  }
0xf: {  	s29 =	simm.s32 $0x93D0;
	[dreg:$0x10] =	wrdreg s28  }
0x10: {  	s30 =	simm.s32 $0xA0;
	[dreg:$0x11] =	wrdreg s29  }
0x11: {  	s31 =	simm.s32 $0x1BD0;
	[dreg:$0x12] =	wrdreg s30  }
0x12: {  	s2 =	simm.s32 $0x98D0;
	[dreg:$0x13] =	wrdreg s31  }
0x13: {  	s8 =	simm.s32 $0x4B0;
	[dreg:$0x15] =	wrdreg s2  }
0x14: {  	s9 =	simm.s32 $0x9DD0;
	[dreg:$0x18] =	wrdreg s8  }
0x15: {  	s10 =	simm.s32 $0xF0;
	[dreg:$0x19] =	wrdreg s9  }
0x16: {  	s11 =	simm.s32 $0x25D0;
	[dreg:$0x1a] =	wrdreg s10  }
0x17: {  	s13 =	simm.s32 $0x4D8;
	[dreg:$0x1b] =	wrdreg s11  }
0x18: {  	s14 =	simm.s32 $0xA2D0;
	[dreg:$0x1c] =	wrdreg s13  }
0x19: {  	s6 =	simm.s32 $0x20D0;
	[dreg:$0x1d] =	wrdreg s14  }
0x1a: {  	s15 =	simm.s32 $0x118;
	[dreg:$0x17] =	wrdreg s6  }
0x1b: {  	s18 =	simm.s32 $0xA7D0;
	[dreg:$0x1e] =	wrdreg s15  }
0x1c: {  	s19 =	simm.s32 $0x140;
	[smem:$0x7C2] =	sst s18  }
0x1d: {  	s20 =	simm.s32 $0x2FD0;
	[smem:$0x7C3] =	sst s19  }
0x1e: {  	s21 =	simm.s32 $0x528;
	[smem:$0x7C4] =	sst s20  }
0x1f: {  	s22 =	simm.s32 $0xACD0;
	[smem:$0x7C5] =	sst s21  }
0x20: {  	s23 =	simm.s32 $0x168;
	[smem:$0x7C6] =	sst s22  }
0x21: {  	s24 =	simm.s32 $0x34D0;
	[smem:$0x7C7] =	sst s23  }
0x22: {  	s25 =	simm.s32 $0x550;
	[smem:$0x7C8] =	sst s24  }
0x23: {  	s26 =	simm.s32 $0xB1D0;
	[smem:$0x7C9] =	sst s25  }
0x24: {  	s28 =	simm.s32 $0x190;
	[smem:$0x7CA] =	sst s26  }
0x25: {  	s29 =	simm.s32 $0x39D0;
	[smem:$0x7CB] =	sst s28  }
0x26: {  	s30 =	simm.s32 $0x578;
	[smem:$0x7CC] =	sst s29  }
0x27: {  	s31 =	simm.s32 $0xB6D0;
	[smem:$0x7CD] =	sst s30  }
0x28: {  	s2 =	simm.s32 $0x3ED0;
	[smem:$0x7CE] =	sst s31  }
0x29: {  	s8 =	simm.s32 $0x1E0;
	[smem:$0x7D0] =	sst s2  }
0x2a: {  	s9 =	simm.s32 $0x43D0;
	[smem:$0x7D3] =	sst s8  }
0x2b: {  	s10 =	simm.s32 $0x5C8;
	[smem:$0x7D4] =	sst s9  }
0x2c: {  	s11 =	simm.s32 $0xC0D0;
	[smem:$0x7D5] =	sst s10  }
0x2d: {  	s13 =	simm.s32 $0x208;
	[smem:$0x7D6] =	sst s11  }
0x2e: {  	s14 =	simm.s32 $0x48D0;
	[smem:$0x7D7] =	sst s13  }
0x2f: {  	s6 =	simm.s32 $0xBBD0;
	[smem:$0x7D8] =	sst s14  }
0x30: {  	s15 =	simm.s32 $0x5F0;
	[smem:$0x7D2] =	sst s6  }
0x31: {  	s18 =	simm.s32 $0x4DD0;
	[smem:$0x7D9] =	sst s15  }
0x32: {  	s19 =	simm.s32 $0x618;
	[smem:$0x7DC] =	sst s18  }
0x33: {  	s20 =	simm.s32 $0xCAD0;
	[smem:$0x7DD] =	sst s19  }
0x34: {  	s21 =	simm.s32 $0x258;
	[smem:$0x7DE] =	sst s20  }
0x35: {  	s22 =	simm.s32 $0x52D0;
	[smem:$0x7DF] =	sst s21  }
0x36: {  	s23 =	simm.s32 $0x640;
	[smem:$0x7E0] =	sst s22  }
0x37: {  	s1 =	srdreg.scid;
	s24 =	simm.s32 $0xCFD0;
	[smem:$0x7E1] =	sst s23  }
0x38: {  	s7 =	stileid.u32;
	s25 =	simm.s32 $0x280;
	[smem:$0x7E2] =	sst s24  }
0x39: {  	s5 =	sand.u32 $0x1, s1;
	s26 =	simm.s32 $0x57D0;
	[smem:$0x7E3] =	sst s25  }
0x3a: {  	s3 =	smul.u32 $0x2710, s7;
	s28 =	simm.s32 $0x668;
	[smem:$0x7E4] =	sst s26  }
0x3b: {  	s1 =	smul.u32 $0x27100, s5;
	s30 =	simm.s32 $0xD4D0;
	[smem:$0x7E5] =	sst s28  }
0x3c: {  	s29 =	ssub.s32 $0x2, s5;
	s2 =	simm.s32 $0x2A8;
	[smem:$0x7E6] =	sst s30  }
0x3d: {  	s8 =	simm.s32 $0x5CD0;
	s5 =	sshll.u32 s5, $0x4;
	[smem:$0x7E7] =	sst s2  }
0x3e: {  	s9 =	simm.s32 $0x690;
	s10 =	simm.s32 $0xD9D0;
	[smem:$0x7E8] =	sst s8  }
0x3f: {  	s11 =	simm.s32 $0x2D0;
	s13 =	sand.u32 $0x7, s7;
	[smem:$0x7E9] =	sst s9  }
0x40: {  	s14 =	simm.s32 $0x61D0;
	s1 =	sadd.s32 s3, s1;
	[smem:$0x7EA] =	sst s10  }
0x41: {  	s3 =	simm.s32 $0xC8;
	s31 =	sshrl.u32 s29, $0x1;
	[smem:$0x7EB] =	sst s11  }
0x42: {  	s5 =	sor.u32 s7, s5;
	p1 =	sne.s32 s13, $0x0;
	[smem:$0x7EC] =	sst s14  }
0x43: {  	s15 =	simm.s32 $0x6B8;
	s18 =	simm.s32 $0x66D0;
	s19 =	smul.u32 $0x138800, s13  }
0x44: {  	s20 =	simm.s32 $0x6E0;
	s21 =	simm.s32 $0xE3D0;
	[dreg:$0x16] =	wrdreg s3  }
0x45: {  	s6 =	simm.s32 $0x1;
	s22 =	simm.s32 $0x320;
	[smem:$0x7ED] =	sst s15  }
0x46: {  	s7 =	simm.s32 $0x1;
	s23 =	simm.s32 $0x6BD0;
	[smem:$0x7F1] =	sst s18  }
0x47: {  	s24 =	simm.s32 $0x708;
	s25 =	simm.s32 $0xE8D0;
	[smem:$0x7F2] =	sst s20  }
0x48: {  	s26 =	simm.s32 $0x348;
	s28 =	simm.s32 $0x70D0;
	[smem:$0x7F3] =	sst s21  }
0x49: {  	s9 =	simm.s32 $0x3;
	s30 =	simm.s32 $0xEDD0;
	[smem:$0x7F4] =	sst s22  }
0x4a: {  	s10 =	simm.s32 $0x28;
	s2 =	simm.s32 $0x84D0;
	[smem:$0x7F5] =	sst s23  }
0x4b: {  	s8 =	simm.s32 $0x75D0;
	s11 =	simm.s32 $0x758;
	[smem:$0x7F6] =	sst s24  }
0x4c: {  	s14 =	simm.s32 $0xF2D0;
	s16 =	sshrl.u32 s1, $0x3;
	[smem:$0x7F7] =	sst s25  }
0x4d: {  	s1 =	sadd.s32 $0x4E200, s1;
	s3 =	simm.s32 $0x5A0;
	[smem:$0x7F9] =	sst s26  }
0x4e: {  	p0 =	seq.s32 s5, $0x0;
	s5 =	sshrl.u32 s5, $0x3;
	[smem:$0x7FA] =	sst s28  }
0x4f: {  	s24 =	simm.s32 $0x3E8;
	[smem:$0x7FC] =	sst s30;
	s25 =	simm.s32 $0x7D0  }
0x50: {  	s15 =	simm.s32 $0x398;
	s18 =	simm.s32 $0xF7D0;
	s20 =	simm.s32 $0x7FD0  }
0x51: {  	s21 =	simm.s32 $0x7A8;
	s17 =	sadd.s32 s16, s0;
	[smem:$0x7D1] =	sst s3  }
0x52: {  	s1 =	sshrl.u32 s1, $0x3;
	s16 =	simm.s32 $0x2AD0;
	[dreg:$0x5] =	wrdreg s17  }
0x53: {  	s22 =	simm.s32 $0xFCD0;
	s0 =	sadd.s32 s1, s0;
	[dreg:$0x1f] =	wrdreg s16  }
0x54: {  	s23 =	simm.s32 $0x20;
	s1 =	simm.s32 $0x488;
	[dreg:$0x6] =	wrdreg s0  }
0x55: {  	s3 =	sadd.s32 $0xB400, s4;
	s17 =	simm.s32 $0x500;
	[dreg:$0x14] =	wrdreg s1  }
0x56: {  	s4 =	sadd.s32 $0x1600, s4;
	s16 =	simm.s32 $0xC5D0;
	[smem:$0x7C1] =	sst s17  }
0x57: {  	p0 =	por !p1, !p0;
	s1 =	simm.s32 $0x1B8;
	[smem:$0x7DA] =	sst s16  }
0x58: {  	p0 =	por !p0, !p0;
	s17 =	simm.s32 $0x230;
	[smem:$0x7CF] =	sst s1  }
0x59: {  	s16 =	simm.s32 $0xDED0;
	s7 =	simm.s32 @!p0 $0x0;
	[smem:$0x7DB] =	sst s17  }
0x5a: {  	s1 =	ssub.s32 s29, s31;
	[smem:$0x7EE] =	sst s16;
	s17 =	simm.s32 $0x2F8  }
0x5b: {  	s5 =	ssub.s32 s5, s7;
	s29 =	simm.s32 $0x730;
	[smem:$0x7F0] =	sst s17  }
0x5c: {  	s31 =	simm.s32 $0x370;
	s16 =	simm.s32 $0x7AD0;
	[smem:$0x7FB] =	sst s29  }
0x5d: {  	s1 =	smax.u32 s1, $0x1;
	s5 =	sshll.u32 s5, $0x5;
	[smem:$0x7FD] =	sst s31  }
0x5e: {  	s17 =	simm.s32 $0x780;
	[smem:$0x7EF] =	sst s1;
	s1 =	sadd.s32 s5, s19  }
0x5f: {  	s19 =	simm.s32 $0x3C0;
	s5 =	simm.s32 $0x0;
	[smem:$0x7F8] =	sst s1  }
.LBB2_1:
0x60: {  	p0 =	por $0x1, $0x1  }
0x61: {  	[smem:$0x7C0] =	sst s5;
	s0 =	simm.s32 @!p0 $0x2  }
0x62: {  	_ =	swait.ge @!p0 [sflag:s0], $0x7D00  }
0x63: {  	[sflag:s0] =	ssyncset.done @!p0 $0x0  }
0x64: {  	[sflag:s0] =	ssyncadd.s32 @!p0 $0xFFFF8300  }
0x65: {  	_ =	swait.ge @!p0 [sflag:s0], $0x7D00  }
0x66: {  	s1 =	rddreg [dreg:$0x5];
	[sflag:s0] =	ssyncset.done @!p0 $0x0  }
0x67: {  	[sflag:s0] =	ssyncadd.s32 @!p0 $0xFFFF8300;
	s7 =	sadd.s32 $0x0, s1  }
0x68: {  	[tilespmem:s12], [sflag:$0x3] =	stream.linear.gather [hbm4b:s7+s12], $0x3E8, $0x38;
	[tilespmem:$0x101D0] =	vst v63  }
0x69: {  	_ =	swait.ge [sflag:s9], $0x3E8  }
0x6a: {  	s13 =	rddreg [dreg:$0x6];
	[sflag:s9] =	ssyncset.done $0x0  }
0x6b: {  	[sflag:s9] =	ssyncadd.s32 $0xFFFFFC18;
	s0 =	sadd.s32 $0x0, s13  }
0x6c: {  	[tilespmem:s24], [sflag:$0x3] =	stream.linear.gather [hbm4b:s0+s12], $0x3E8, $0x38;
	[tilespmem:$0x101D0] =	vst v63  }
0x6d: {  	_ =	swait.ge [sflag:s9], $0x3E8  }
0x6e: {  	s0 =	rddreg [dreg:$0xa]  }
0x6f: {  	s26 =	rddreg [dreg:$0x8]  }
0x70: {  	s28 =	rddreg [dreg:$0x7]  }
0x71: {  	s7 =	rddreg [dreg:$0x9]  }
0x72: {  	[sflag:s9] =	ssyncset.done $0x0;
	s13 =	rddreg [dreg:$0xd]  }
0x73: {  	s5 =	rddreg [dreg:$0x13];
	[sflag:s9] =	ssyncadd.s32 $0xFFFFFC18  }
0x74: {  	[tilespmem:s25], [sflag:$0x1] =	stream.indirect.gather [hbm4b:s3+s10], $0x20, s12, s10, $0xb8;
	[tilespmem:$0x101D0] =	vst v63  }
0x75: {  	s25 =	rddreg [dreg:$0xe]  }
0x76: {  	[tilespmem:s2], [sflag:$0x1] =	stream.indirect.gather [hbm4b:s4+s10], $0x20, s24, s10, $0xb8;
	[tilespmem:$0x101D0] =	vst v63  }
0x77: {  	s2 =	rddreg [dreg:$0xb]  }
0x78: {  	[tilespmem:s28], [sflag:$0x1] =	stream.indirect.gather [hbm4b:s3+s10], $0x20, s10, s10, $0xb8;
	[tilespmem:$0x101D0] =	vst v63  }
0x79: {  	s28 =	rddreg [dreg:$0x10]  }
0x7a: {  	[tilespmem:s7], [sflag:$0x1] =	stream.indirect.gather [hbm4b:s4+s10], $0x20, s26, s10, $0xb8;
	[tilespmem:$0x101D0] =	vst v63  }
0x7b: {  	s7 =	rddreg [dreg:$0xc]  }
0x7c: {  	s26 =	rddreg [dreg:$0xf]  }
0x7d: {  	[tilespmem:s2], [sflag:$0x1] =	stream.indirect.gather [hbm4b:s3+s10], $0x20, s0, s10, $0xb8;
	[tilespmem:$0x101D0] =	vst v63  }
0x7e: {  	s2 =	rddreg [dreg:$0x11]  }
0x7f: {  	[tilespmem:s13], [sflag:$0x1] =	stream.indirect.gather [hbm4b:s4+s10], $0x20, s7, s10, $0xb8;
	[tilespmem:$0x101D0] =	vst v63  }
0x80: {  	s13 =	rddreg [dreg:$0x12]  }
0x81: {  	s7 =	rddreg [dreg:$0x18]  }
0x82: {  	[tilespmem:s26], [sflag:$0x1] =	stream.indirect.gather [hbm4b:s3+s10], $0x20, s25, s10, $0xb8;
	[tilespmem:$0x101D0] =	vst v63  }
0x83: {  	s25 =	rddreg [dreg:$0x14]  }
0x84: {  	s26 =	rddreg [dreg:$0x15]  }
0x85: {  	[tilespmem:s2], [sflag:$0x1] =	stream.indirect.gather [hbm4b:s4+s10], $0x20, s28, s10, $0xb8;
	[tilespmem:$0x101D0] =	vst v63  }
0x86: {  	s28 =	rddreg [dreg:$0x17]  }
0x87: {  	s2 =	rddreg [dreg:$0x16]  }
0x88: {  	[tilespmem:s5], [sflag:$0x1] =	stream.indirect.gather [hbm4b:s3+s10], $0x20, s13, s10, $0xb8;
	[tilespmem:$0x101D0] =	vst v63  }
0x89: {  	s13 =	rddreg [dreg:$0x19]  }
0x8a: {  	s5 =	rddreg [dreg:$0x1f]  }
0x8b: {  	[tilespmem:s26], [sflag:$0x1] =	stream.indirect.gather [hbm4b:s4+s10], $0x20, s25, s10, $0xb8;
	[tilespmem:$0x101D0] =	vst v63  }
0x8c: {  	s25 =	rddreg [dreg:$0x1b]  }
0x8d: {  	s26 =	rddreg [dreg:$0x1a]  }
0x8e: {  	[tilespmem:s28], [sflag:$0x1] =	stream.indirect.gather [hbm4b:s3+s10], $0x20, s2, s10, $0xb8;
	[tilespmem:$0x101D0] =	vst v63  }
0x8f: {  	s28 =	rddreg [dreg:$0x1c]  }
0x90: {  	s2 =	rddreg [dreg:$0x1d]  }
0x91: {  	[tilespmem:s13], [sflag:$0x1] =	stream.indirect.gather [hbm4b:s4+s10], $0x20, s7, s10, $0xb8;
	[tilespmem:$0x101D0] =	vst v63  }
0x92: {  	s13 =	rddreg [dreg:$0x1e]  }
0x93: {  	s7 =	sld [smem:$0x7C6]  }
0x94: {  	[tilespmem:s25], [sflag:$0x1] =	stream.indirect.gather [hbm4b:s3+s10], $0x20, s26, s10, $0xb8;
	[tilespmem:$0x101D0] =	vst v63  }
0x95: {  	s25 =	sld [smem:$0x7C2]  }
0x96: {  	s26 =	sld [smem:$0x7C1]  }
0x97: {  	[tilespmem:s2], [sflag:$0x1] =	stream.indirect.gather [hbm4b:s4+s10], $0x20, s28, s10, $0xb8;
	[tilespmem:$0x101D0] =	vst v63  }
0x98: {  	s28 =	sld [smem:$0x7C4]  }
0x99: {  	s2 =	sld [smem:$0x7C3]  }
0x9a: {  	[tilespmem:s5], [sflag:$0x1] =	stream.indirect.gather [hbm4b:s3+s10], $0x20, s13, s10, $0xb8;
	[tilespmem:$0x101D0] =	vst v63  }
0x9b: {  	s13 =	sld [smem:$0x7C5]  }
0x9c: {  	[tilespmem:s25], [sflag:$0x1] =	stream.indirect.gather [hbm4b:s4+s10], $0x20, s26, s10, $0xb8;
	[tilespmem:$0x101D0] =	vst v63  }
0x9d: {  	s25 =	sld [smem:$0x7C7]  }
0x9e: {  	s26 =	sld [smem:$0x7C8]  }
0x9f: {  	[tilespmem:s28], [sflag:$0x1] =	stream.indirect.gather [hbm4b:s3+s10], $0x20, s2, s10, $0xb8;
	[tilespmem:$0x101D0] =	vst v63  }
0xa0: {  	s28 =	sld [smem:$0x7C9]  }
0xa1: {  	[tilespmem:s7], [sflag:$0x1] =	stream.indirect.gather [hbm4b:s4+s10], $0x20, s13, s10, $0xb8;
	[tilespmem:$0x101D0] =	vst v63  }
0xa2: {  	s2 =	sld [smem:$0x7CA]  }
0xa3: {  	[tilespmem:s26], [sflag:$0x1] =	stream.indirect.gather [hbm4b:s3+s10], $0x20, s25, s10, $0xb8;
	[tilespmem:$0x101D0] =	vst v63  }
0xa4: {  	_ = 	snop  }
0xa5: {  	[tilespmem:s2], [sflag:$0x1] =	stream.indirect.gather [hbm4b:s4+s10], $0x20, s28, s10, $0xb8;
	[tilespmem:$0x101D0] =	vst v63  }
0xa6: {  	_ =	swait.ge [sflag:s6], $0x1900  }
0xa7: {  	[sflag:s6] =	ssyncset.done $0x0  }
0xa8: {  	[sflag:s6] =	ssyncadd.s32 $0xFFFFE700  }
0xa9: {  	_ =	swait.ge [sflag:s6], $0x1900  }
0xaa: {  	s13 =	sld [smem:$0x7CC]  }
0xab: {  	s25 =	sld [smem:$0x7CB]  }
0xac: {  	s26 =	sld [smem:$0x7CE]  }
0xad: {  	s28 =	sld [smem:$0x7CD]  }
0xae: {  	s1 =	sld [smem:$0x7D0]  }
0xaf: {  	[sflag:s6] =	ssyncset.done $0x0;
	s2 =	sld [smem:$0x7CF]  }
0xb0: {  	s7 =	sld [smem:$0x7D1];
	[sflag:s6] =	ssyncadd.s32 $0xFFFFE700  }
0xb1: {  	[tilespmem:s13], [sflag:$0x1] =	stream.indirect.gather [hbm4b:s3+s10], $0x20, s25, s10, $0xb8;
	[tilespmem:$0x101D0] =	vst v63  }
0xb2: {  	s13 =	sld [smem:$0x7D2]  }
0xb3: {  	s25 =	sld [smem:$0x7D4]  }
0xb4: {  	[tilespmem:s26], [sflag:$0x1] =	stream.indirect.gather [hbm4b:s4+s10], $0x20, s28, s10, $0xb8;
	[tilespmem:$0x101D0] =	vst v63  }
0xb5: {  	s26 =	sld [smem:$0x7D3]  }
0xb6: {  	s28 =	sld [smem:$0x7D6]  }
0xb7: {  	[tilespmem:s1], [sflag:$0x1] =	stream.indirect.gather [hbm4b:s3+s10], $0x20, s2, s10, $0xb8;
	[tilespmem:$0x101D0] =	vst v63  }
0xb8: {  	s2 =	sld [smem:$0x7D5]  }
0xb9: {  	s1 =	sld [smem:$0x7DC]  }
0xba: {  	[tilespmem:s13], [sflag:$0x1] =	stream.indirect.gather [hbm4b:s4+s10], $0x20, s7, s10, $0xb8;
	[tilespmem:$0x101D0] =	vst v63  }
0xbb: {  	s13 =	sld [smem:$0x7D8]  }
0xbc: {  	s7 =	sld [smem:$0x7DE]  }
0xbd: {  	[tilespmem:s25], [sflag:$0x1] =	stream.indirect.gather [hbm4b:s3+s10], $0x20, s26, s10, $0xb8;
	[tilespmem:$0x101D0] =	vst v63  }
0xbe: {  	s25 =	sld [smem:$0x7D7]  }
0xbf: {  	s26 =	sld [smem:$0x7D9]  }
0xc0: {  	[tilespmem:s28], [sflag:$0x1] =	stream.indirect.gather [hbm4b:s4+s10], $0x20, s2, s10, $0xb8;
	[tilespmem:$0x101D0] =	vst v63  }
0xc1: {  	s28 =	sld [smem:$0x7DA]  }
0xc2: {  	[tilespmem:s13], [sflag:$0x1] =	stream.indirect.gather [hbm4b:s3+s10], $0x20, s25, s10, $0xb8;
	[tilespmem:$0x101D0] =	vst v63  }
0xc3: {  	s2 =	sld [smem:$0x7DB]  }
0xc4: {  	[tilespmem:s28], [sflag:$0x1] =	stream.indirect.gather [hbm4b:s4+s10], $0x20, s26, s10, $0xb8;
	[tilespmem:$0x101D0] =	vst v63  }
0xc5: {  	s13 =	sld [smem:$0x7DD]  }
0xc6: {  	[tilespmem:s1], [sflag:$0x1] =	stream.indirect.gather [hbm4b:s3+s10], $0x20, s2, s10, $0xb8;
	[tilespmem:$0x101D0] =	vst v63  }
0xc7: {  	_ = 	snop  }
0xc8: {  	[tilespmem:s7], [sflag:$0x1] =	stream.indirect.gather [hbm4b:s4+s10], $0x20, s13, s10, $0xb8;
	[tilespmem:$0x101D0] =	vst v63  }
0xc9: {  	_ =	swait.ge [sflag:s6], $0x1900  }
0xca: {  	[sflag:s6] =	ssyncset.done $0x0  }
0xcb: {  	[sflag:s6] =	ssyncadd.s32 $0xFFFFE700  }
0xcc: {  	_ =	swait.ge [sflag:s6], $0x1900  }
0xcd: {  	s25 =	sld [smem:$0x7DF]  }
0xce: {  	s26 =	sld [smem:$0x7E0]  }
0xcf: {  	s28 =	sld [smem:$0x7E2]  }
0xd0: {  	s2 =	sld [smem:$0x7E1]  }
0xd1: {  	s13 =	sld [smem:$0x7E3]  }
0xd2: {  	[sflag:s6] =	ssyncset.done $0x0;
	s1 =	sld [smem:$0x7E8]  }
0xd3: {  	s7 =	sld [smem:$0x7EA];
	[sflag:s6] =	ssyncadd.s32 $0xFFFFE700  }
0xd4: {  	[tilespmem:s26], [sflag:$0x1] =	stream.indirect.gather [hbm4b:s3+s10], $0x20, s25, s10, $0xb8;
	[tilespmem:$0x101D0] =	vst v63  }
0xd5: {  	s25 =	sld [smem:$0x7E4]  }
0xd6: {  	s26 =	sld [smem:$0x7E5]  }
0xd7: {  	[tilespmem:s28], [sflag:$0x1] =	stream.indirect.gather [hbm4b:s4+s10], $0x20, s2, s10, $0xb8;
	[tilespmem:$0x101D0] =	vst v63  }
0xd8: {  	s28 =	sld [smem:$0x7E6]  }
0xd9: {  	s2 =	sld [smem:$0x7E7]  }
0xda: {  	[tilespmem:s25], [sflag:$0x1] =	stream.indirect.gather [hbm4b:s3+s10], $0x20, s13, s10, $0xb8;
	[tilespmem:$0x101D0] =	vst v63  }
0xdb: {  	s13 =	sld [smem:$0x7E9]  }
0xdc: {  	s25 =	sld [smem:$0x7EC]  }
0xdd: {  	[tilespmem:s28], [sflag:$0x1] =	stream.indirect.gather [hbm4b:s4+s10], $0x20, s26, s10, $0xb8;
	[tilespmem:$0x101D0] =	vst v63  }
0xde: {  	s26 =	sld [smem:$0x7EB]  }
0xdf: {  	s28 =	sld [smem:$0x7EE]  }
0xe0: {  	[tilespmem:s1], [sflag:$0x1] =	stream.indirect.gather [hbm4b:s3+s10], $0x20, s2, s10, $0xb8;
	[tilespmem:$0x101D0] =	vst v63  }
0xe1: {  	s2 =	sld [smem:$0x7ED]  }
0xe2: {  	[tilespmem:s7], [sflag:$0x1] =	stream.indirect.gather [hbm4b:s4+s10], $0x20, s13, s10, $0xb8;
	[tilespmem:$0x101D0] =	vst v63  }
0xe3: {  	s13 =	sld [smem:$0x7F1]  }
0xe4: {  	[tilespmem:s25], [sflag:$0x1] =	stream.indirect.gather [hbm4b:s3+s10], $0x20, s26, s10, $0xb8;
	[tilespmem:$0x101D0] =	vst v63  }
0xe5: {  	s25 =	sld [smem:$0x7F0]  }
0xe6: {  	s26 =	sld [smem:$0x7F3]  }
0xe7: {  	[tilespmem:s28], [sflag:$0x1] =	stream.indirect.gather [hbm4b:s4+s10], $0x20, s2, s10, $0xb8;
	[tilespmem:$0x101D0] =	vst v63  }
0xe8: {  	s28 =	sld [smem:$0x7F2]  }
0xe9: {  	[tilespmem:s13], [sflag:$0x1] =	stream.indirect.gather [hbm4b:s3+s10], $0x20, s25, s10, $0xb8;
	[tilespmem:$0x101D0] =	vst v63  }
0xea: {  	_ = 	snop  }
0xeb: {  	[tilespmem:s26], [sflag:$0x1] =	stream.indirect.gather [hbm4b:s4+s10], $0x20, s28, s10, $0xb8;
	[tilespmem:$0x101D0] =	vst v63  }
0xec: {  	_ =	swait.ge [sflag:s6], $0x1900  }
0xed: {  	[sflag:s6] =	ssyncset.done $0x0  }
0xee: {  	[sflag:s6] =	ssyncadd.s32 $0xFFFFE700  }
0xef: {  	_ =	swait.ge [sflag:s6], $0x1900  }
0xf0: {  	s29 =	sld [smem:$0x7F8];
	_ =	sdelay $0x2  }
0xf1: {  	s30 =	simm.s32 $0x7D;
	s31 =	smov.u32 s29  }
.LBB2_2:
0xf2: {  	s1 =	sld [smem:$0x7FC]  }
0xf3: {  	s5 =	sld [smem:$0x7FA]  }
0xf4: {  	s7 =	sld [smem:$0x7F5]  }
0xf5: {  	s26 =	sld [smem:$0x7F4]  }
0xf6: {  	[sflag:s6] =	ssyncset.done $0x0;
	s28 =	sld [smem:$0x7F7]  }
0xf7: {  	s13 =	sld [smem:$0x7F6];
	[sflag:s6] =	ssyncadd.s32 $0xFFFFE700  }
0xf8: {  	[tilespmem:s7], [sflag:$0x1] =	stream.indirect.gather [hbm4b:s3+s10], $0x20, s26, s10, $0xb8;
	[tilespmem:$0x101D0] =	vst v63  }
0xf9: {  	s26 =	sld [smem:$0x7F9]  }
0xfa: {  	[tilespmem:s28], [sflag:$0x1] =	stream.indirect.gather [hbm4b:s4+s10], $0x20, s13, s10, $0xb8;
	[tilespmem:$0x101D0] =	vst v63  }
0xfb: {  	s28 =	sld [smem:$0x7FB]  }
0xfc: {  	[tilespmem:s5], [sflag:$0x1] =	stream.indirect.gather [hbm4b:s3+s10], $0x20, s26, s10, $0xb8;
	[tilespmem:$0x101D0] =	vst v63  }
0xfd: {  	s2 =	sld [smem:$0x7FD]  }
0xfe: {  	[tilespmem:s1], [sflag:$0x1] =	stream.indirect.gather [hbm4b:s4+s10], $0x20, s28, s10, $0xb8;
	[tilespmem:$0x101D0] =	vst v63  }
0xff: {  	_ = 	snop  }
0x100: {  	[tilespmem:s8], [sflag:$0x1] =	stream.indirect.gather [hbm4b:s3+s10], $0x20, s2, s10, $0xb8;
	[tilespmem:$0x101D0] =	vst v63  }
0x101: {  	_ = 	snop  }
0x102: {  	[tilespmem:s14], [sflag:$0x1] =	stream.indirect.gather [hbm4b:s4+s10], $0x20, s11, s10, $0xb8;
	[tilespmem:$0x101D0] =	vst v63  }
0x103: {  	_ = 	snop  }
0x104: {  	[tilespmem:s16], [sflag:$0x1] =	stream.indirect.gather [hbm4b:s3+s10], $0x20, s15, s10, $0xb8;
	[tilespmem:$0x101D0] =	vst v63  }
0x105: {  	_ = 	snop  }
0x106: {  	[tilespmem:s18], [sflag:$0x1] =	stream.indirect.gather [hbm4b:s4+s10], $0x20, s17, s10, $0xb8;
	[tilespmem:$0x101D0] =	vst v63  }
0x107: {  	_ = 	snop  }
0x108: {  	[tilespmem:s20], [sflag:$0x1] =	stream.indirect.gather [hbm4b:s3+s10], $0x20, s19, s10, $0xb8;
	[tilespmem:$0x101D0] =	vst v63  }
0x109: {  	_ = 	snop  }
0x10a: {  	[tilespmem:s22], [sflag:$0x1] =	stream.indirect.gather [hbm4b:s4+s10], $0x20, s21, s10, $0xb8;
	[tilespmem:$0x101D0] =	vst v63  }
0x10b: {  	_ =	swait.ge [sflag:s6], $0x1900  }
0x10c: {  	[sflag:s6] =	ssyncset.done $0x0  }
0x10d: {  	[sflag:s6] =	ssyncadd.s32 $0xFFFFE700  }
0x10e: {  	_ =	swait.ge [sflag:s6], $0x1900  }
0x10f: {  	[sflag:s6] =	ssyncset.done $0x0  }
0x110: {  	[sflag:s6] =	ssyncadd.s32 $0xFFFFE700  }
0x111: {  	_ =	swait.ge [sflag:s6], $0x1900  }
0x112: {  	s0 =	smov.u32 s30;
	[sflag:s6] =	ssyncset.done $0x0  }
0x113: {  	p1 =	seq.s32 s0, $0x0;
	[sflag:s6] =	ssyncadd.s32 $0xFFFFE700  }
0x114: {  	s8 =	sshrl.u32 s29, $0x3;
	s2 =	simm.s32 $0x80;
	_ =	swait.ge [sflag:s6], $0x1900  }
0x115: {  	s11 =	simm.s32 $0x7D0;
	[sflag:s6] =	ssyncset.done $0x0;
	s5 =	rddreg [dreg:$0x3]  }
0x116: {  	s7 =	rddreg [dreg:$0x4];
	[sflag:s6] =	ssyncadd.s32 $0xFFFFE700;
	s1 =	sadd.s32 s5, s8  }
0x117: {  	[hbm4b:s1+s23] =	stream.strided.scatter [tilespmem:s11], [sflag:$0x2], $0x7D00, s2, s23, $0x38;
	[tilespmem:$0x101D0] =	vst v63  }
0x118: {  	s5 =	sadd.s32 s7, s8;
	s8 =	simm.s32 $0x84D0;
	s1 =	simm.s32 @!p1 $0x2  }
0x119: {  	[hbm4b:s5+s23] =	stream.strided.scatter [tilespmem:s8], [sflag:$0x2], $0x7D00, s2, s23, $0x38;
	[tilespmem:$0x101D0] =	vst v63  }
0x11a: {  	_ =	swait.ge @!p1 [sflag:s1], $0x7D00  }
0x11b: {  	[sflag:s1] =	ssyncset.done @!p1 $0x0  }
0x11c: {  	[sflag:s1] =	ssyncadd.s32 @!p1 $0xFFFF8300  }
0x11d: {  	_ =	swait.ge @!p1 [sflag:s1], $0x7D00  }
0x11e: {  	[sflag:s1] =	ssyncset.done @!p1 $0x0;
	s13 =	rddreg [dreg:$0x5]  }
0x11f: {  	[sflag:s1] =	ssyncadd.s32 @!p1 $0xFFFF8300;
	s14 =	sadd.s32 s0, s13  }
0x120: {  	[tilespmem:s12], [sflag:$0x3] =	stream.linear.gather [hbm4b:s14+s12], $0x3E8, $0x38;
	[tilespmem:$0x101D0] =	vst v63  }
0x121: {  	_ =	swait.ge [sflag:s9], $0x3E8  }
0x122: {  	s15 =	rddreg [dreg:$0x6];
	[sflag:s9] =	ssyncset.done $0x0  }
0x123: {  	[sflag:s9] =	ssyncadd.s32 $0xFFFFFC18;
	s0 =	sadd.s32 s0, s15  }
0x124: {  	[tilespmem:s24], [sflag:$0x3] =	stream.linear.gather [hbm4b:s0+s12], $0x3E8, $0x38;
	[tilespmem:$0x101D0] =	vst v63  }
0x125: {  	_ =	swait.ge [sflag:s9], $0x3E8  }
0x126: {  	s7 =	rddreg [dreg:$0x10]  }
0x127: {  	s1 =	rddreg [dreg:$0x14]  }
0x128: {  	s0 =	rddreg [dreg:$0x18]  }
0x129: {  	s5 =	rddreg [dreg:$0x17]  }
0x12a: {  	s26 =	rddreg [dreg:$0x13]  }
0x12b: {  	s13 =	rddreg [dreg:$0x12]  }
0x12c: {  	s14 =	rddreg [dreg:$0xe]  }
0x12d: {  	s15 =	rddreg [dreg:$0xc]  }
0x12e: {  	s16 =	rddreg [dreg:$0xa]  }
0x12f: {  	s17 =	rddreg [dreg:$0xd]  }
0x130: {  	s28 =	rddreg [dreg:$0x19]  }
0x131: {  	s18 =	rddreg [dreg:$0x8]  }
0x132: {  	s19 =	rddreg [dreg:$0x15]  }
0x133: {  	s20 =	rddreg [dreg:$0xf]  }
0x134: {  	s21 =	rddreg [dreg:$0x11]  }
0x135: {  	[sflag:s9] =	ssyncset.done $0x0;
	s22 =	rddreg [dreg:$0x7]  }
0x136: {  	s23 =	rddreg [dreg:$0x9];
	[sflag:s9] =	ssyncadd.s32 $0xFFFFFC18  }
0x137: {  	[tilespmem:s11], [sflag:$0x1] =	stream.indirect.gather [hbm4b:s3+s10], $0x20, s12, s10, $0xb8;
	[tilespmem:$0x101D0] =	vst v63  }
0x138: {  	s9 =	rddreg [dreg:$0xb]  }
0x139: {  	[tilespmem:s8], [sflag:$0x1] =	stream.indirect.gather [hbm4b:s4+s10], $0x20, s24, s10, $0xb8;
	[tilespmem:$0x101D0] =	vst v63  }
0x13a: {  	s11 =	rddreg [dreg:$0x16]  }
0x13b: {  	[tilespmem:s22], [sflag:$0x1] =	stream.indirect.gather [hbm4b:s3+s10], $0x20, s10, s10, $0xb8;
	[tilespmem:$0x101D0] =	vst v63  }
0x13c: {  	s12 =	rddreg [dreg:$0x1b]  }
0x13d: {  	[tilespmem:s23], [sflag:$0x1] =	stream.indirect.gather [hbm4b:s4+s10], $0x20, s18, s10, $0xb8;
	[tilespmem:$0x101D0] =	vst v63  }
0x13e: {  	s24 =	rddreg [dreg:$0x1a]  }
0x13f: {  	[tilespmem:s9], [sflag:$0x1] =	stream.indirect.gather [hbm4b:s3+s10], $0x20, s16, s10, $0xb8;
	[tilespmem:$0x101D0] =	vst v63  }
0x140: {  	s22 =	rddreg [dreg:$0x1c]  }
0x141: {  	[tilespmem:s17], [sflag:$0x1] =	stream.indirect.gather [hbm4b:s4+s10], $0x20, s15, s10, $0xb8;
	[tilespmem:$0x101D0] =	vst v63  }
0x142: {  	s18 =	sld [smem:$0x7C6]  }
0x143: {  	[tilespmem:s20], [sflag:$0x1] =	stream.indirect.gather [hbm4b:s3+s10], $0x20, s14, s10, $0xb8;
	[tilespmem:$0x101D0] =	vst v63  }
0x144: {  	s9 =	sld [smem:$0x7C5]  }
0x145: {  	[tilespmem:s21], [sflag:$0x1] =	stream.indirect.gather [hbm4b:s4+s10], $0x20, s7, s10, $0xb8;
	[tilespmem:$0x101D0] =	vst v63  }
0x146: {  	s16 =	rddreg [dreg:$0x1f]  }
0x147: {  	[tilespmem:s26], [sflag:$0x1] =	stream.indirect.gather [hbm4b:s3+s10], $0x20, s13, s10, $0xb8;
	[tilespmem:$0x101D0] =	vst v63  }
0x148: {  	s15 =	sld [smem:$0x7C4]  }
0x149: {  	[tilespmem:s19], [sflag:$0x1] =	stream.indirect.gather [hbm4b:s4+s10], $0x20, s1, s10, $0xb8;
	[tilespmem:$0x101D0] =	vst v63  }
0x14a: {  	s17 =	rddreg [dreg:$0x1d]  }
0x14b: {  	[tilespmem:s5], [sflag:$0x1] =	stream.indirect.gather [hbm4b:s3+s10], $0x20, s11, s10, $0xb8;
	[tilespmem:$0x101D0] =	vst v63  }
0x14c: {  	s14 =	sld [smem:$0x7C7]  }
0x14d: {  	[tilespmem:s28], [sflag:$0x1] =	stream.indirect.gather [hbm4b:s4+s10], $0x20, s0, s10, $0xb8;
	[tilespmem:$0x101D0] =	vst v63  }
0x14e: {  	s26 =	rddreg [dreg:$0x1e]  }
0x14f: {  	[tilespmem:s12], [sflag:$0x1] =	stream.indirect.gather [hbm4b:s3+s10], $0x20, s24, s10, $0xb8;
	[tilespmem:$0x101D0] =	vst v63  }
0x150: {  	s1 =	sld [smem:$0x7C2]  }
0x151: {  	[tilespmem:s17], [sflag:$0x1] =	stream.indirect.gather [hbm4b:s4+s10], $0x20, s22, s10, $0xb8;
	[tilespmem:$0x101D0] =	vst v63  }
0x152: {  	s28 =	sld [smem:$0x7C1]  }
0x153: {  	[tilespmem:s16], [sflag:$0x1] =	stream.indirect.gather [hbm4b:s3+s10], $0x20, s26, s10, $0xb8;
	[tilespmem:$0x101D0] =	vst v63  }
0x154: {  	s11 =	sld [smem:$0x7C3]  }
0x155: {  	[tilespmem:s1], [sflag:$0x1] =	stream.indirect.gather [hbm4b:s4+s10], $0x20, s28, s10, $0xb8;
	[tilespmem:$0x101D0] =	vst v63  }
0x156: {  	s7 =	sld [smem:$0x7C9]  }
0x157: {  	[tilespmem:s15], [sflag:$0x1] =	stream.indirect.gather [hbm4b:s3+s10], $0x20, s11, s10, $0xb8;
	[tilespmem:$0x101D0] =	vst v63  }
0x158: {  	s12 =	sld [smem:$0x7C8]  }
0x159: {  	[tilespmem:s18], [sflag:$0x1] =	stream.indirect.gather [hbm4b:s4+s10], $0x20, s9, s10, $0xb8;
	[tilespmem:$0x101D0] =	vst v63  }
0x15a: {  	s13 =	sld [smem:$0x7CA]  }
0x15b: {  	[tilespmem:s12], [sflag:$0x1] =	stream.indirect.gather [hbm4b:s3+s10], $0x20, s14, s10, $0xb8;
	[tilespmem:$0x101D0] =	vst v63  }
0x15c: {  	_ = 	snop  }
0x15d: {  	[tilespmem:s13], [sflag:$0x1] =	stream.indirect.gather [hbm4b:s4+s10], $0x20, s7, s10, $0xb8;
	[tilespmem:$0x101D0] =	vst v63  }
0x15e: {  	_ =	swait.ge [sflag:s6], $0x1900  }
0x15f: {  	[sflag:s6] =	ssyncset.done $0x0  }
0x160: {  	[sflag:s6] =	ssyncadd.s32 $0xFFFFE700  }
0x161: {  	_ =	swait.ge [sflag:s6], $0x1900  }
0x162: {  	s0 =	sld [smem:$0x7CE]  }
0x163: {  	s14 =	sld [smem:$0x7CC]  }
0x164: {  	s5 =	sld [smem:$0x7D4]  }
0x165: {  	s7 =	sld [smem:$0x7D1]  }
0x166: {  	s9 =	sld [smem:$0x7D0]  }
0x167: {  	s11 =	sld [smem:$0x7D3]  }
0x168: {  	s12 =	sld [smem:$0x7CF]  }
0x169: {  	s13 =	sld [smem:$0x7D2]  }
0x16a: {  	s16 =	sld [smem:$0x7CB]  }
0x16b: {  	s15 =	sld [smem:$0x7D6]  }
0x16c: {  	[sflag:s6] =	ssyncset.done $0x0;
	s26 =	sld [smem:$0x7CD]  }
0x16d: {  	s17 =	sld [smem:$0x7D8];
	[sflag:s6] =	ssyncadd.s32 $0xFFFFE700  }
0x16e: {  	[tilespmem:s14], [sflag:$0x1] =	stream.indirect.gather [hbm4b:s3+s10], $0x20, s16, s10, $0xb8;
	[tilespmem:$0x101D0] =	vst v63  }
0x16f: {  	s28 =	sld [smem:$0x7D7]  }
0x170: {  	[tilespmem:s0], [sflag:$0x1] =	stream.indirect.gather [hbm4b:s4+s10], $0x20, s26, s10, $0xb8;
	[tilespmem:$0x101D0] =	vst v63  }
0x171: {  	s14 =	sld [smem:$0x7DE]  }
0x172: {  	[tilespmem:s9], [sflag:$0x1] =	stream.indirect.gather [hbm4b:s3+s10], $0x20, s12, s10, $0xb8;
	[tilespmem:$0x101D0] =	vst v63  }
0x173: {  	s16 =	sld [smem:$0x7DC]  }
0x174: {  	[tilespmem:s13], [sflag:$0x1] =	stream.indirect.gather [hbm4b:s4+s10], $0x20, s7, s10, $0xb8;
	[tilespmem:$0x101D0] =	vst v63  }
0x175: {  	s12 =	sld [smem:$0x7D5]  }
0x176: {  	[tilespmem:s5], [sflag:$0x1] =	stream.indirect.gather [hbm4b:s3+s10], $0x20, s11, s10, $0xb8;
	[tilespmem:$0x101D0] =	vst v63  }
0x177: {  	s0 =	sld [smem:$0x7D9]  }
0x178: {  	[tilespmem:s15], [sflag:$0x1] =	stream.indirect.gather [hbm4b:s4+s10], $0x20, s12, s10, $0xb8;
	[tilespmem:$0x101D0] =	vst v63  }
0x179: {  	s26 =	sld [smem:$0x7DA]  }
0x17a: {  	[tilespmem:s17], [sflag:$0x1] =	stream.indirect.gather [hbm4b:s3+s10], $0x20, s28, s10, $0xb8;
	[tilespmem:$0x101D0] =	vst v63  }
0x17b: {  	s28 =	sld [smem:$0x7DB]  }
0x17c: {  	[tilespmem:s26], [sflag:$0x1] =	stream.indirect.gather [hbm4b:s4+s10], $0x20, s0, s10, $0xb8;
	[tilespmem:$0x101D0] =	vst v63  }
0x17d: {  	s9 =	sld [smem:$0x7DD]  }
0x17e: {  	[tilespmem:s16], [sflag:$0x1] =	stream.indirect.gather [hbm4b:s3+s10], $0x20, s28, s10, $0xb8;
	[tilespmem:$0x101D0] =	vst v63  }
0x17f: {  	_ = 	snop  }
0x180: {  	[tilespmem:s14], [sflag:$0x1] =	stream.indirect.gather [hbm4b:s4+s10], $0x20, s9, s10, $0xb8;
	[tilespmem:$0x101D0] =	vst v63  }
0x181: {  	_ =	swait.ge [sflag:s6], $0x1900  }
0x182: {  	[sflag:s6] =	ssyncset.done $0x0  }
0x183: {  	[sflag:s6] =	ssyncadd.s32 $0xFFFFE700  }
0x184: {  	_ =	swait.ge [sflag:s6], $0x1900  }
0x185: {  	s0 =	sld [smem:$0x7F1]  }
0x186: {  	s1 =	sld [smem:$0x7E8]  }
0x187: {  	s5 =	sld [smem:$0x7E3]  }
0x188: {  	s11 =	sld [smem:$0x7E2]  }
0x189: {  	s9 =	sld [smem:$0x7E4]  }
0x18a: {  	s13 =	sld [smem:$0x7E1]  }
0x18b: {  	s15 =	sld [smem:$0x7DF]  }
0x18c: {  	s16 =	sld [smem:$0x7E5]  }
0x18d: {  	s14 =	sld [smem:$0x7EE]  }
0x18e: {  	s17 =	sld [smem:$0x7E0]  }
0x18f: {  	[sflag:s6] =	ssyncset.done $0x0;
	s26 =	sld [smem:$0x7E6]  }
0x190: {  	s28 =	sld [smem:$0x7E7];
	[sflag:s6] =	ssyncadd.s32 $0xFFFFE700  }
0x191: {  	[tilespmem:s17], [sflag:$0x1] =	stream.indirect.gather [hbm4b:s3+s10], $0x20, s15, s10, $0xb8;
	[tilespmem:$0x101D0] =	vst v63  }
0x192: {  	s12 =	sld [smem:$0x7EC]  }
0x193: {  	[tilespmem:s11], [sflag:$0x1] =	stream.indirect.gather [hbm4b:s4+s10], $0x20, s13, s10, $0xb8;
	[tilespmem:$0x101D0] =	vst v63  }
0x194: {  	s7 =	sld [smem:$0x7EA]  }
0x195: {  	[tilespmem:s9], [sflag:$0x1] =	stream.indirect.gather [hbm4b:s3+s10], $0x20, s5, s10, $0xb8;
	[tilespmem:$0x101D0] =	vst v63  }
0x196: {  	s13 =	sld [smem:$0x7F0]  }
0x197: {  	[tilespmem:s26], [sflag:$0x1] =	stream.indirect.gather [hbm4b:s4+s10], $0x20, s16, s10, $0xb8;
	[tilespmem:$0x101D0] =	vst v63  }
0x198: {  	s9 =	sld [smem:$0x7E9]  }
0x199: {  	[tilespmem:s1], [sflag:$0x1] =	stream.indirect.gather [hbm4b:s3+s10], $0x20, s28, s10, $0xb8;
	[tilespmem:$0x101D0] =	vst v63  }
0x19a: {  	s31 =	sadd.s32 $0x1F400, s31;
	s30 =	sadd.s32 $0x7D, s30;
	s26 =	sld [smem:$0x7EB]  }
0x19b: {  	[tilespmem:s7], [sflag:$0x1] =	stream.indirect.gather [hbm4b:s4+s10], $0x20, s9, s10, $0xb8;
	[tilespmem:$0x101D0] =	vst v63  }
0x19c: {  	s25 =	simm.s32 $0x7D0;
	p0 =	sne.s32 s30, $0x4E2;
	s28 =	sld [smem:$0x7ED]  }
0x19d: {  	[tilespmem:s12], [sflag:$0x1] =	stream.indirect.gather [hbm4b:s3+s10], $0x20, s26, s10, $0xb8;
	[tilespmem:$0x101D0] =	vst v63  }
0x19e: {  	s29 =	smov.u32 s31;
	s2 =	simm.s32 $0x84D0;
	s26 =	sld [smem:$0x7F3]  }
0x19f: {  	[tilespmem:s14], [sflag:$0x1] =	stream.indirect.gather [hbm4b:s4+s10], $0x20, s28, s10, $0xb8;
	[tilespmem:$0x101D0] =	vst v63  }
0x1a0: {  	s8 =	simm.s32 $0x75D0;
	s23 =	simm.s32 $0x20;
	s28 =	sld [smem:$0x7F2]  }
0x1a1: {  	[tilespmem:s0], [sflag:$0x1] =	stream.indirect.gather [hbm4b:s3+s10], $0x20, s13, s10, $0xb8;
	[tilespmem:$0x101D0] =	vst v63  }
0x1a2: {  	s20 =	simm.s32 $0x7FD0;
	s21 =	simm.s32 $0x7A8;
	s19 =	simm.s32 $0x3C0  }
0x1a3: {  	[tilespmem:s26], [sflag:$0x1] =	stream.indirect.gather [hbm4b:s4+s10], $0x20, s28, s10, $0xb8;
	[tilespmem:$0x101D0] =	vst v63  }
.Ltmp0:
0x1a4: {  	s24 =	simm.s32 $0x3E8;
	s22 =	simm.s32 $0xFCD0;
	(pc) =	sbr.rel @p0 .LBB2_2-.Ltmp0, $4  }
0x1a5: {  	s18 =	simm.s32 $0xF7D0;
	s15 =	simm.s32 $0x398;
	_ =	swait.ge [sflag:s6], $0x1900  }
0x1a6: {  	s17 =	simm.s32 $0x780;
	s11 =	simm.s32 $0x758;
	[sflag:s6] =	ssyncset.done $0x0  }
0x1a7: {  	s16 =	simm.s32 $0x7AD0;
	s9 =	simm.s32 $0x3;
	[sflag:s6] =	ssyncadd.s32 $0xFFFFE700  }
0x1a8: {  	s12 =	simm.s32 $0x0;
	s14 =	simm.s32 $0xF2D0;
	_ =	swait.ge [sflag:s6], $0x1900  }
0x1a9: {  	s0 =	sld [smem:$0x7F5]  }
0x1aa: {  	s1 =	sld [smem:$0x7F4]  }
0x1ab: {  	s5 =	sld [smem:$0x7F7]  }
0x1ac: {  	s7 =	sld [smem:$0x7F6]  }
0x1ad: {  	[sflag:s6] =	ssyncset.done $0x0;
	s26 =	sld [smem:$0x7FA]  }
0x1ae: {  	s28 =	sld [smem:$0x7F9];
	[sflag:s6] =	ssyncadd.s32 $0xFFFFE700  }
0x1af: {  	[tilespmem:s0], [sflag:$0x1] =	stream.indirect.gather [hbm4b:s3+s10], $0x20, s1, s10, $0xb8;
	[tilespmem:$0x101D0] =	vst v63  }
0x1b0: {  	s30 =	sld [smem:$0x7FC]  }
0x1b1: {  	[tilespmem:s5], [sflag:$0x1] =	stream.indirect.gather [hbm4b:s4+s10], $0x20, s7, s10, $0xb8;
	[tilespmem:$0x101D0] =	vst v63  }
0x1b2: {  	s31 =	sld [smem:$0x7FB]  }
0x1b3: {  	[tilespmem:s26], [sflag:$0x1] =	stream.indirect.gather [hbm4b:s3+s10], $0x20, s28, s10, $0xb8;
	[tilespmem:$0x101D0] =	vst v63  }
0x1b4: {  	s1 =	sld [smem:$0x7FD]  }
0x1b5: {  	[tilespmem:s30], [sflag:$0x1] =	stream.indirect.gather [hbm4b:s4+s10], $0x20, s31, s10, $0xb8;
	[tilespmem:$0x101D0] =	vst v63  }
0x1b6: {  	_ = 	snop  }
0x1b7: {  	[tilespmem:s8], [sflag:$0x1] =	stream.indirect.gather [hbm4b:s3+s10], $0x20, s1, s10, $0xb8;
	[tilespmem:$0x101D0] =	vst v63  }
0x1b8: {  	_ = 	snop  }
0x1b9: {  	[tilespmem:s14], [sflag:$0x1] =	stream.indirect.gather [hbm4b:s4+s10], $0x20, s11, s10, $0xb8;
	[tilespmem:$0x101D0] =	vst v63  }
0x1ba: {  	_ = 	snop  }
0x1bb: {  	[tilespmem:s16], [sflag:$0x1] =	stream.indirect.gather [hbm4b:s3+s10], $0x20, s15, s10, $0xb8;
	[tilespmem:$0x101D0] =	vst v63  }
0x1bc: {  	_ = 	snop  }
0x1bd: {  	[tilespmem:s18], [sflag:$0x1] =	stream.indirect.gather [hbm4b:s4+s10], $0x20, s17, s10, $0xb8;
	[tilespmem:$0x101D0] =	vst v63  }
0x1be: {  	_ = 	snop  }
0x1bf: {  	[tilespmem:s20], [sflag:$0x1] =	stream.indirect.gather [hbm4b:s3+s10], $0x20, s19, s10, $0xb8;
	[tilespmem:$0x101D0] =	vst v63  }
0x1c0: {  	_ = 	snop  }
0x1c1: {  	[tilespmem:s22], [sflag:$0x1] =	stream.indirect.gather [hbm4b:s4+s10], $0x20, s21, s10, $0xb8;
	[tilespmem:$0x101D0] =	vst v63  }
0x1c2: {  	_ =	swait.ge [sflag:s6], $0x1900  }
0x1c3: {  	[sflag:s6] =	ssyncset.done $0x0  }
0x1c4: {  	[sflag:s6] =	ssyncadd.s32 $0xFFFFE700  }
0x1c5: {  	_ =	swait.ge [sflag:s6], $0x1900  }
0x1c6: {  	[sflag:s6] =	ssyncset.done $0x0  }
0x1c7: {  	[sflag:s6] =	ssyncadd.s32 $0xFFFFE700  }
0x1c8: {  	_ =	swait.ge [sflag:s6], $0x1900  }
0x1c9: {  	[sflag:s6] =	ssyncset.done $0x0  }
0x1ca: {  	[sflag:s6] =	ssyncadd.s32 $0xFFFFE700  }
0x1cb: {  	s13 =	sshrl.u32 s29, $0x3;
	_ =	swait.ge [sflag:s6], $0x1900  }
0x1cc: {  	s26 =	simm.s32 $0x80;
	s5 =	rddreg [dreg:$0x3];
	[sflag:s6] =	ssyncset.done $0x0  }
0x1cd: {  	s7 =	rddreg [dreg:$0x4];
	[sflag:s6] =	ssyncadd.s32 $0xFFFFE700;
	s0 =	sadd.s32 s5, s13  }
0x1ce: {  	[hbm4b:s0+s23] =	stream.strided.scatter [tilespmem:s25], [sflag:$0x2], $0x7D00, s26, s23, $0x38;
	[tilespmem:$0x101D0] =	vst v63  }
0x1cf: {  	s29 =	simm.s32 $0x2;
	s28 =	sadd.s32 s7, s13  }
0x1d0: {  	[hbm4b:s28+s23] =	stream.strided.scatter [tilespmem:s2], [sflag:$0x2], $0x7D00, s26, s23, $0x38;
	[tilespmem:$0x101D0] =	vst v63  }
0x1d1: {  	_ =	swait.ge [sflag:s29], $0x7D00  }
0x1d2: {  	[sflag:s29] =	ssyncset.done $0x0  }
0x1d3: {  	[sflag:s29] =	ssyncadd.s32 $0xFFFF8300  }
0x1d4: {  	_ =	swait.ge [sflag:s29], $0x7D00  }
0x1d5: {  	s30 =	sld [smem:$0x7C0]  }
0x1d6: {  	s31 =	sld [smem:$0x7EF];
	_ =	sdelay $0x1  }
0x1d7: {  	s5 =	sadd.s32 $0x1, s30  }
0x1d8: {  	p0 =	sne.s32 s5, s31  }
.Ltmp1:
0x1d9: {  	_ = 	snop;
	(pc) =	sbr.rel @p0 .LBB2_1-.Ltmp1, $3  }
0x1da: {  	_ =	sdelay $0x1  }
0x1db: {  	[sflag:s29] =	ssyncset.done $0x0  }
0x1dc: {  	[sflag:s29] =	ssyncadd.s32 $0xFFFF8300  }
0x1dd: {  	_ =	sfence.sel $0x180000  }
0x1de: {  	[bflag:$0x0] =	sbarrier.arrive $0xFFFF  }
0x1df: {  	_ =	strace $0x90000047  }
0x1e0: {  	s0 =	stileid.u32;
	[bflag:$0x2] =	sbarrier.arrive $0xFFFF  }
0x1e1: {  	p0 =	sne.s32 s0, $0x0;
	s0 =	rddreg [dreg:$0x2]  }
0x1e2: {  	s0 =	sadd.s32 @!p0 $0x100000, s0  }
0x1e3: {  	[sflag:s0] =	ssyncadd.tile.s32 @!p0 $0x1;
	_ =	shalt  }
.Lfunc_end2:
_tile_overlayer_lowered:
.L_overlay_start_2:
0x1e4: {  	(tag) =	ssettag $0x2  }
0x1e5: {  	s0 =	rddreg [dreg:$0x0];
	s2 =	stileid.u32  }
0x1e6: {  	s1 =	rddreg [dreg:$0x1];
	p0 =	sne.s32 s2, $0x0  }
0x1e7: {  	s3 =	rddreg [dreg:$0x2];
	[bflag:$0x3] =	sbarrier.arrive $0xFFFF;
	s2 =	simm.s32 @!p0 $0x1C03  }
0x1e8: {  	[timem:s3], [sflag:s2] =	dma.local @!p0 [hbm:s0], s1  }
0x1e9: {  	s0 =	simm.s32 @!p0 $0x3  }
0x1ea: {  	_ =	swait.ge @!p0 [sflag:s0], s1  }
0x1eb: {  	s1 =	ssub.s32 @!p0 $0x0, s1;
	[sflag:s0] =	ssyncset.done @!p0 $0x0  }
0x1ec: {  	[sflag:s0] =	ssyncadd.s32 @!p0 s1  }
0x1ed: {  	[bflag:$0x3] =	sbarrier.arrive $0xFFFF  }
0x1ee: {  	_ =	shalt  }

// kernel: scatter_sc.3.cloned.1.call-start
scs
__scs_entry_jumppad:
0x0: {  	(pc) =	sbr.rel $0x88, $3  }
0x1: {  	(tag) =	ssettag $0x0;
	lr =	simm.s32 $0x1  }
0x2: {  	[smem:$0x3F98] =	sst lr;
	_ =	strace $0xD0000000  }
0x3: {  	_ = 	snop  }
0x4: {  	_ = 	snop  }
0x5: {  	_ = 	snop  }
0x6: {  	_ = 	snop  }
0x7: {  	_ = 	snop  }
__scs_overlays_trampoline_lowered:
0x8: {  	[smem:$0x3FA7] =	sst s0  }
0x9: {  	[smem:$0x3FA8] =	sst s1  }
0xa: {  	[smem:$0x3FA9] =	sst s2  }
0xb: {  	[smem:$0x3FAA] =	sst s3  }
0xc: {  	[smem:$0x3FAB] =	sst s4  }
0xd: {  	[smem:$0x3FAC] =	sst s5  }
0xe: {  	[smem:$0x3FAD] =	sst s6  }
0xf: {  	[smem:$0x3FAE] =	sst s7  }
0x10: {  	[smem:$0x3FAF] =	sst s8  }
0x11: {  	[smem:$0x3FB0] =	sst s9;
	s0 =	simm.s32 @!p0 $0x0  }
0x12: {  	s1 =	sld [smem:$0x3F96];
	s0 =	simm.s32 @p0 $0x1  }
0x13: {  	[smem:$0x3FB1] =	sst s0;
	s0 =	simm.s32 @!p1 $0x0  }
0x14: {  	s2 =	sld [smem:$0x3F95];
	s0 =	simm.s32 @p1 $0x1  }
0x15: {  	[smem:$0x3FB2] =	sst s0;
	s0 =	simm.s32 @!p2 $0x0  }
0x16: {  	s3 =	sld [smem:$0x3FDB];
	s0 =	simm.s32 @p2 $0x1  }
0x17: {  	s4 =	simm.s32 $0x1BF5;
	[smem:$0x3FB4] =	sst s0  }
0x18: {  	s0 =	sld [smem:$0x3F97];
	_ =	swait.ge [sflag:s4], $0x0  }
0x19: {  	s7 =	sld [smem:$0x3F98]  }
0x1a: {  	s8 =	sadd.s32 $0xFFFFE003, lr  }
0x1b: {  	s9 =	sadd.s32 $0xFFFFFEF7, lr;
	s5 =	simm.s32 $0xFFFFFFFF;
	p2 =	slt.u32 s8, $0xFFFFF086  }
0x1c: {  	p1 =	slt.u32 s9, $0xF7A;
	s5 =	simm.s32 @!p2 $0x0  }
0x1d: {  	s5 =	simm.s32 @p1 $0x1;
	p0 =	seq.s32 s7, s2  }
0x1e: {  	s7 =	smul.u32 @!p0 $0xF7A, s2;
	p2 =	seq.s32 @!p0 s5, $0x0  }
0x1f: {  	s9 =	smul.u32 $0xF7A, s1;
	s8 =	simm.s32 @!p0 $0x1BF5;
	p2 =	por !p2, p0  }
0x20: {  	[sflag:s8] =	ssyncset.s32 @!p0 $0xFFFFF086;
	s6 =	sadd.s32 @!p0 s3, s7;
	s7 =	simm.s32 @!p0 $0x108  }
0x21: {  	s3 =	sadd.s32 s3, s9;
	s6 =	sadd.s32 @!p0 $0x88, s6;
	s7 =	simm.s32 @p2 $0x1082  }
0x22: {  	[simem:s7], [sflag:s8] =	dma.local @!p0 [hbm:s6], $0xF7A  }
0x23: {  	s9 =	sor.u32 $0xD0000000, s2;
	s6 =	simm.s32 $0x108;
	_ =	swait.ge @!p0 [sflag:s8], $0x0  }
0x24: {  	s3 =	sadd.s32 $0x88, s3;
	s6 =	simm.s32 @!p1 $0x1082;
	[sflag:s4] =	ssyncset.s32 $0xFFFFF086  }
0x25: {  	[simem:s6], [sflag:s4] =	dma.local [hbm:s3], $0xF7A  }
0x26: {  	[smem:$0x3F98] =	sst s1;
	(tag) =	ssettag s2;
	_ =	strace s9  }
0x27: {  	s1 =	sld [smem:$0x3FA8]  }
0x28: {  	s2 =	sld [smem:$0x3FA9]  }
0x29: {  	s4 =	sld [smem:$0x3FAB]  }
0x2a: {  	p0 =	seq.s32 s5, $0x0;
	s5 =	sld [smem:$0x3FAC]  }
0x2b: {  	s6 =	sld [smem:$0x3FAD]  }
0x2c: {  	s7 =	sld [smem:$0x3FAE]  }
0x2d: {  	s3 =	simm.s32 $0x108;
	s8 =	sld [smem:$0x3FAF]  }
0x2e: {  	s3 =	simm.s32 @!p0 $0x1082;
	s9 =	sld [smem:$0x3FB0]  }
0x2f: {  	lr =	sadd.s32 s0, s3;
	s0 =	sld [smem:$0x3FA7]  }
0x30: {  	s3 =	sld [smem:$0x3FAA]  }
0x31: {  	[smem:$0x3FB3] =	sst s10  }
0x32: {  	s10 =	sld [smem:$0x3FB1];
	_ =	sdelay $0x3  }
0x33: {  	p0 =	seq.s32 s10, $0x1;
	s10 =	sld [smem:$0x3FB3];
	_ =	sdelay $0x3  }
0x34: {  	[smem:$0x3FB3] =	sst s10  }
0x35: {  	s10 =	sld [smem:$0x3FB2];
	_ =	sdelay $0x3  }
0x36: {  	p1 =	seq.s32 s10, $0x1;
	s10 =	sld [smem:$0x3FB3];
	_ =	sdelay $0x3  }
0x37: {  	[smem:$0x3FB3] =	sst s10  }
0x38: {  	s10 =	sld [smem:$0x3FB4]  }
0x39: {  	_ = 	snop;
	(pc) =	sbr.ind lr, $3  }
0x3a: {  	_ = 	snop  }
0x3b: {  	_ = 	snop  }
0x3c: {  	p2 =	seq.s32 s10, $0x1;
	s10 =	sld [smem:$0x3FB3]  }
0x3d: {  	_ =	shalt  }
0x3e: {  	_ =	shalt  }
0x3f: {  	_ =	shalt  }
0x40: {  	_ =	shalt  }
0x41: {  	_ =	shalt  }
0x42: {  	_ =	shalt  }
0x43: {  	_ =	shalt  }
0x44: {  	_ =	shalt  }
0x45: {  	_ =	shalt  }
0x46: {  	_ =	shalt  }
0x47: {  	_ =	shalt  }
0x48: {  	_ =	shalt  }
0x49: {  	_ =	shalt  }
0x4a: {  	_ =	shalt  }
0x4b: {  	_ =	shalt  }
0x4c: {  	_ =	shalt  }
0x4d: {  	_ =	shalt  }
0x4e: {  	_ =	shalt  }
0x4f: {  	_ =	shalt  }
0x50: {  	_ =	shalt  }
0x51: {  	_ =	shalt  }
0x52: {  	_ =	shalt  }
0x53: {  	_ =	shalt  }
0x54: {  	_ =	shalt  }
0x55: {  	_ =	shalt  }
0x56: {  	_ =	shalt  }
0x57: {  	_ =	shalt  }
0x58: {  	_ =	shalt  }
0x59: {  	_ =	shalt  }
0x5a: {  	_ =	shalt  }
0x5b: {  	_ =	shalt  }
0x5c: {  	_ =	shalt  }
0x5d: {  	_ =	shalt  }
0x5e: {  	_ =	shalt  }
0x5f: {  	_ =	shalt  }
0x60: {  	_ =	shalt  }
0x61: {  	_ =	shalt  }
0x62: {  	_ =	shalt  }
0x63: {  	_ =	shalt  }
0x64: {  	_ =	shalt  }
0x65: {  	_ =	shalt  }
0x66: {  	_ =	shalt  }
0x67: {  	_ =	shalt  }
0x68: {  	_ =	shalt  }
0x69: {  	_ =	shalt  }
0x6a: {  	_ =	shalt  }
0x6b: {  	_ =	shalt  }
0x6c: {  	_ =	shalt  }
0x6d: {  	_ =	shalt  }
0x6e: {  	_ =	shalt  }
0x6f: {  	_ =	shalt  }
0x70: {  	_ =	shalt  }
0x71: {  	_ =	shalt  }
0x72: {  	_ =	shalt  }
0x73: {  	_ =	shalt  }
0x74: {  	_ =	shalt  }
0x75: {  	_ =	shalt  }
0x76: {  	_ =	shalt  }
0x77: {  	_ =	shalt  }
0x78: {  	_ =	shalt  }
0x79: {  	_ =	shalt  }
0x7a: {  	_ =	shalt  }
0x7b: {  	_ =	shalt  }
0x7c: {  	_ =	shalt  }
0x7d: {  	_ =	shalt  }
0x7e: {  	_ =	shalt  }
0x7f: {  	_ =	shalt  }
0x80: {  	_ =	shalt  }
0x81: {  	_ =	shalt  }
0x82: {  	_ =	shalt  }
0x83: {  	_ =	shalt  }
0x84: {  	_ =	shalt  }
0x85: {  	_ =	shalt  }
0x86: {  	_ =	shalt  }
0x87: {  	_ =	shalt  }
.Lfunc_end0:
.L_simem_size_0:
called_computation.1_lowered:
.L_overlay_start_0:
0x88: {  	s2 =	sld [smem:$0x3FD9]  }
0x89: {  	s3 =	sld [smem:$0x3FFE];
	_ =	sdelay $0x1  }
0x8a: {  	s1 =	srdreg.scid  }
0x8b: {  	s0 =	sand.u32 $0x1, s1  }
0x8c: {  	s17 =	sshll.u32 s0, $0xA;
	s2 =	sadd.s32 s3, s2  }
0x8d: {  	s2 =	sadd.s32 s2, s17  }
0x8e: {  	[smem:$0x3FBF] =	sst s2  }
0x8f: {  	_ = 	snop  }
0x90: {  	s2 =	sld [smem:$0x3FD0];
	(tm) =	ssettm $0x1  }
0x91: {  	s18 =	sld [smem:$0x3FFB];
	_ =	sdelay $0x3  }
0x92: {  	_ =	strace s18  }
0x93: {  	s3 =	sld [smem:$0x3FFC];
	_ =	sdelay $0x3  }
0x94: {  	_ =	strace s3  }
0x95: {  	s3 =	sld [smem:$0x3FFD];
	_ =	sdelay $0x3  }
0x96: {  	_ =	strace s3  }
0x97: {  	_ =	strace $0x8FFFFFFF  }
0x98: {  	s19 =	sld [smem:$0x3FDB];
	_ =	sdelay $0x1  }
0x99: {  	s4 =	simm.s32 $_scs_section_size  }
0x9a: {  	s5 =	simm.s32 $_size__tile_overlayer_lowered;
	s6 =	simm.s32 $_tile_overlayer_lowered  }
0x9b: {  	s22 =	simm.s32 $0x1BFF;
	s21 =	sshll.u32 s6, $0x1;
	s3 =	sadd.s32 s4, s19  }
0x9c: {  	s7 =	simm.s32 $0x0;
	s20 =	sshll.u32 s5, $0x1;
	s5 =	sadd.s32 s21, s3  }
0x9d: {  	[timem:s7], [sflag:s22] =	dma.local [hbm:s5], s20  }
0x9e: {  	_ =	swait.ge [sflag:s22], s20  }
0x9f: {  	s4 =	ssub.s32 $0x0, s20;
	[sflag:s22] =	ssyncset.done $0x0  }
0xa0: {  	[sflag:s22] =	ssyncadd.s32 s4;
	_ =	sdelay $0x1  }
0xa1: {  	s23 =	simm.s32 $0x1B8B  }
0xa2: {  	_ =	swait.ge [sflag:s23], $0x1  }
0xa3: {  	[sflag:s23] =	ssyncset.done $0x0  }
0xa4: {  	s25 =	simm.s32 $0x1B8E;
	s24 =	sld [smem:$0x3FFE];
	[sflag:s23] =	ssyncadd.s32 $0xFFFFFFFF  }
0xa5: {  	s26 =	simm.s32 $execute0_lowered;
	[smem:$0x3FD2] =	sst s25  }
0xa6: {  	s5 =	sshll.u32 s26, $0x1;
	_ =	strace $0x80000049;
	[dreg:$0x1] =	wrdreg $0xFFFFFFFF  }
0xa7: {  	s28 =	simm.s32 $_size_execute0_lowered;
	s3 =	sadd.s32 s3, s5;
	[dreg:$0x0] =	wrdreg $0x0  }
0xa8: {  	s5 =	sshll.u32 s28, $0x1;
	[dreg:$0x2] =	wrdreg s3  }
0xa9: {  	[dreg:$0x3] =	wrdreg s5  }
0xaa: {  	[dreg:$0x4] =	wrdreg $0xC0  }
0xab: {  	_ =	task [dreg:s7], $0x5FFFF  }
0xac: {  	[dreg:$0x1] =	wrdreg $0xFFFFFFFF  }
0xad: {  	[dreg:$0x0] =	wrdreg $0x60  }
0xae: {  	[dreg:$0x2] =	wrdreg s24  }
0xaf: {  	[dreg:$0x3] =	wrdreg s2  }
0xb0: {  	[dreg:$0x4] =	wrdreg $0x109A00  }
0xb1: {  	[dreg:$0x5] =	wrdreg $0x157C00  }
0xb2: {  	[dreg:$0x6] =	wrdreg $0x9  }
0xb3: {  	_ =	task.clear_ibuf [dreg:s7], $0x7FFFF;
	_ =	strace $0x90000049  }
0xb4: {  	s29 =	simm.s32 $0x9;
	_ =	strace $0x8000004B  }
0xb5: {  	_ =	swait.ge [sflag:s29], $0x1  }
0xb6: {  	[sflag:s29] =	ssyncadd.s32 $0xFFFFFFFF  }
0xb7: {  	_ =	strace $0x9000004B  }
0xb8: {  	_ =	sfence  }
0xb9: {  	s30 =	sld [smem:$0x0];
	_ =	sdelay $0x2  }
0xba: {  	s31 =	sshll.u32 s1, $0xD;
	s1 =	sshrl.u32 s1, $0x2  }
0xbb: {  	s3 =	sand.u32 $0x4000, s31;
	s1 =	sadd.s32 s1, s30  }
0xbc: {  	s0 =	sor.u32 s3, s0;
	s1 =	sshll.u32 s1, $0x11  }
0xbd: {  	s0 =	sor.u32 s1, s0  }
0xbe: {  	s0 =	sadd.s32 $0x8F2B, s0  }
0xbf: {  	[sflag:s0] =	ssyncadd.remote.s32 $0x1  }
0xc0: {  	_ =	sfence.sel $0xFFFF  }
0xc1: {  	[dreg:$0x0] =	wrdreg $0xFFFFFFFF;
	(pc) =	sbr.abs _section_cstart, $3  }
0xc2: {  	[dreg:$0x1] =	wrdreg $0xFFFFFFFF  }
0xc3: {  	_ =	task.clear_ibuf [dreg:s7], $0x2FFFF;
	_ =	strace $0x9FFFFFFF  }
0xc4: {  	(tm) =	ssettm $0x7FFFFFFF  }
0xc5: {  	_ =	shalt  }
tec
execute0_lowered:
.L_overlay_start_1:
0x0: {  	(tag) =	ssettag $0x1  }
0x1: {  	s8 =	rddreg [dreg:$0x0]  }
0x2: {  	s14 =	rddreg [dreg:$0x1]  }
0x3: {  	s1 =	rddreg [dreg:$0x2]  }
0x4: {  	s2 =	rddreg [dreg:$0x3];
	s3 =	simm.s32 $0x0  }
0x5: {  	s4 =	srdreg.scid;
	s0 =	stileid.u32;
	s21 =	simm.s32 $0xFA0  }
0x6: {  	s22 =	simm.s32 $0x7D0;
	s23 =	simm.s32 $0x50;
	[smem:$0x7FF] =	sst s3  }
0x7: {  	s20 =	simm.s32 $0x80;
	s5 =	sadd.s32 $0x3D2600, s8;
	s6 =	sadd.s32 $0x3C8800, s8  }
0x8: {  	s9 =	sand.u32 $0x1, s4;
	s7 =	sadd.s32 $0x3BEA00, s8;
	s29 =	sand.u32 $0x7, s0  }
0x9: {  	s8 =	sadd.s32 $0x1600, s8;
	s30 =	smul.u32 $0x4E20, s0;
	s31 =	sshll.u32 s0, $0x6  }
0xa: {  	_ =	strace $0x8000004A;
	s10 =	sshll.u32 s9, $0x4;
	s11 =	ssub.s32 $0x2, s9  }
0xb: {  	p1 =	sne.s32 s29, $0x0;
	s17 =	smul.u32 $0x9C400, s9;
	s9 =	simm.s32 $0x1  }
0xc: {  	s13 =	sor.u32 s0, s10;
	s12 =	sshrl.u32 s11, $0x1;
	s10 =	smul.u32 $0x2710, s29  }
0xd: {  	s18 =	sadd.s32 s30, s1;
	s19 =	sadd.s32 s30, s2;
	p0 =	seq.s32 s13, $0x0  }
0xe: {  	s16 =	ssub.s32 s11, s12;
	s11 =	simm.s32 $0x1;
	s15 =	sshrl.u32 s13, $0x3  }
0xf: {  	s17 =	sadd.s32 s30, s17;
	s13 =	smul.u32 $0x4E2, s13;
	p0 =	por !p1, !p0  }
0x10: {  	s17 =	sshrl.u32 s17, $0x3;
	s16 =	smax.u32 s16, $0x1;
	p0 =	por !p0, !p0  }
0x11: {  	s14 =	sadd.s32 s14, s17;
	s17 =	sshrl.u32 s18, $0x3;
	s11 =	simm.s32 @!p0 $0x0  }
0x12: {  	s18 =	sshrl.u32 s19, $0x3;
	s19 =	simm.s32 $0x20;
	s15 =	ssub.s32 s15, s11  }
0x13: {  	s11 =	sor.u32 $0x1C01, s31;
	s12 =	sshll.u32 s15, $0x5;
	s15 =	sadd.s32 $0x9C40, s14  }
.LBB2_1:
0x14: {  	[spmem:s17], [sflag:s11] =	dma.local [hbm:s8], $0x9C4  }
0x15: {  	_ =	swait.ge [sflag:s9], $0x9C4  }
0x16: {  	[sflag:s9] =	ssyncset.done $0x0  }
0x17: {  	[sflag:s9] =	ssyncadd.s32 $0xFFFFF63C  }
0x18: {  	[spmem:s18], [sflag:s11] =	dma.local [hbm:s8], $0x9C4  }
0x19: {  	_ =	swait.ge [sflag:s9], $0x9C4  }
0x1a: {  	[sflag:s9] =	ssyncset.done $0x0  }
0x1b: {  	[sflag:s9] =	ssyncadd.s32 $0xFFFFF63C  }
0x1c: {  	s24 =	simm.s32 $0x0;
	[bflag:$0x0] =	sbarrier.arrive $0xFFFF  }
.LBB2_2:
0x1d: {  	s25 =	smul.u32 $0x7D0, s24;
	_ =	sdelay $0x1  }
0x1e: {  	s25 =	sadd.s32 s10, s25  }
0x1f: {  	s25 =	sshll.u32 s25, $0x7  }
0x20: {  	s25 =	sadd.s32 s12, s25  }
0x21: {  	s25 =	sshrl.u32 s25, $0x3  }
0x22: {  	s0 =	smul.u32 $0xFA, s24;
	s25 =	sadd.s32 s5, s25  }
0x23: {  	[tilespmem:s21], [sflag:$0x1] =	stream.strided.gather [hbm4b:s25+s19], $0xFA00, s20, s19, $0x38;
	[tilespmem:$0x1A5E0] =	vst v63  }
0x24: {  	_ =	swait.ge [sflag:s9], $0xFA00  }
0x25: {  	s25 =	sadd.s32 s13, s0;
	[sflag:s9] =	ssyncset.done $0x0  }
0x26: {  	s28 =	simm.s32 $0x0;
	s26 =	sadd.s32 s6, s25;
	[sflag:s9] =	ssyncadd.s32 $0xFFFF0600  }
0x27: {  	[tilespmem:s28], [sflag:$0x1] =	stream.linear.gather [hbm4b:s26+s28], $0x7D0, $0x38;
	[tilespmem:$0x1A5E0] =	vst v63  }
0x28: {  	_ =	swait.ge [sflag:s9], $0x7D0  }
0x29: {  	[sflag:s9] =	ssyncset.done $0x0  }
0x2a: {  	s25 =	sadd.s32 s7, s25;
	[sflag:s9] =	ssyncadd.s32 $0xFFFFF830  }
0x2b: {  	[tilespmem:s22], [sflag:$0x1] =	stream.linear.gather [hbm4b:s25+s28], $0x7D0, $0x38;
	[tilespmem:$0x1A5E0] =	vst v63  }
0x2c: {  	_ =	swait.ge [sflag:s9], $0x7D0  }
0x2d: {  	[sflag:s9] =	ssyncset.done $0x0  }
0x2e: {  	s4 =	simm.s32 $0xFA0;
	s31 =	simm.s32 $0x7D0;
	[sflag:s9] =	ssyncadd.s32 $0xFFFFF830  }
0x2f: {  	[spmem:s1] =	stream.indirect.scatter.add.f32 [tilespmem:s4], [sflag:$0x1], $0x20, s31, s23, $0xb8;
	[tilespmem:$0x1A5E0] =	vst v63  }
0x30: {  	_ =	swait.ge [sflag:s9], $0xA00  }
0x31: {  	[sflag:s9] =	ssyncset.done $0x0  }
0x32: {  	s0 =	simm.s32 $0x0;
	[sflag:s9] =	ssyncadd.s32 $0xFFFFF600  }
0x33: {  	[spmem:s2] =	stream.indirect.scatter.add.f32 [tilespmem:s4], [sflag:$0x1], $0x20, s0, s23, $0xb8;
	[tilespmem:$0x1A5E0] =	vst v63  }
0x34: {  	_ =	swait.ge [sflag:s9], $0xA00  }
0x35: {  	[sflag:s9] =	ssyncset.done $0x0  }
0x36: {  	s31 =	simm.s32 $0x820;
	s4 =	simm.s32 $0x19A0;
	[sflag:s9] =	ssyncadd.s32 $0xFFFFF600  }
0x37: {  	[spmem:s1] =	stream.indirect.scatter.add.f32 [tilespmem:s4], [sflag:$0x1], $0x20, s31, s23, $0xb8;
	[tilespmem:$0x1A5E0] =	vst v63  }
0x38: {  	_ =	swait.ge [sflag:s9], $0xA00  }
0x39: {  	[sflag:s9] =	ssyncset.done $0x0  }
0x3a: {  	s0 =	simm.s32 $0x50;
	[sflag:s9] =	ssyncadd.s32 $0xFFFFF600  }
0x3b: {  	[spmem:s2] =	stream.indirect.scatter.add.f32 [tilespmem:s4], [sflag:$0x1], $0x20, s0, s23, $0xb8;
	[tilespmem:$0x1A5E0] =	vst v63  }
0x3c: {  	_ =	swait.ge [sflag:s9], $0xA00  }
0x3d: {  	[sflag:s9] =	ssyncset.done $0x0  }
0x3e: {  	s31 =	simm.s32 $0x870;
	s4 =	simm.s32 $0x23A0;
	[sflag:s9] =	ssyncadd.s32 $0xFFFFF600  }
0x3f: {  	[spmem:s1] =	stream.indirect.scatter.add.f32 [tilespmem:s4], [sflag:$0x1], $0x20, s31, s23, $0xb8;
	[tilespmem:$0x1A5E0] =	vst v63  }
0x40: {  	_ =	swait.ge [sflag:s9], $0xA00  }
0x41: {  	[sflag:s9] =	ssyncset.done $0x0  }
0x42: {  	s0 =	simm.s32 $0xA0;
	[sflag:s9] =	ssyncadd.s32 $0xFFFFF600  }
0x43: {  	[spmem:s2] =	stream.indirect.scatter.add.f32 [tilespmem:s4], [sflag:$0x1], $0x20, s0, s23, $0xb8;
	[tilespmem:$0x1A5E0] =	vst v63  }
0x44: {  	_ =	swait.ge [sflag:s9], $0xA00  }
0x45: {  	[sflag:s9] =	ssyncset.done $0x0  }
0x46: {  	s31 =	simm.s32 $0x8C0;
	s4 =	simm.s32 $0x2DA0;
	[sflag:s9] =	ssyncadd.s32 $0xFFFFF600  }
0x47: {  	[spmem:s1] =	stream.indirect.scatter.add.f32 [tilespmem:s4], [sflag:$0x1], $0x20, s31, s23, $0xb8;
	[tilespmem:$0x1A5E0] =	vst v63  }
0x48: {  	_ =	swait.ge [sflag:s9], $0xA00  }
0x49: {  	[sflag:s9] =	ssyncset.done $0x0  }
0x4a: {  	s0 =	simm.s32 $0xF0;
	[sflag:s9] =	ssyncadd.s32 $0xFFFFF600  }
0x4b: {  	[spmem:s2] =	stream.indirect.scatter.add.f32 [tilespmem:s4], [sflag:$0x1], $0x20, s0, s23, $0xb8;
	[tilespmem:$0x1A5E0] =	vst v63  }
0x4c: {  	_ =	swait.ge [sflag:s9], $0xA00  }
0x4d: {  	[sflag:s9] =	ssyncset.done $0x0  }
0x4e: {  	s31 =	simm.s32 $0x910;
	s4 =	simm.s32 $0x37A0;
	[sflag:s9] =	ssyncadd.s32 $0xFFFFF600  }
0x4f: {  	[spmem:s1] =	stream.indirect.scatter.add.f32 [tilespmem:s4], [sflag:$0x1], $0x20, s31, s23, $0xb8;
	[tilespmem:$0x1A5E0] =	vst v63  }
0x50: {  	_ =	swait.ge [sflag:s9], $0xA00  }
0x51: {  	[sflag:s9] =	ssyncset.done $0x0  }
0x52: {  	s29 =	simm.s32 $0xC80;
	s28 =	simm.s32 $0x140;
	[sflag:s9] =	ssyncadd.s32 $0xFFFFF600  }
0x53: {  	[spmem:s2] =	stream.indirect.scatter.add.f32 [tilespmem:s4], [sflag:$0x1], $0x20, s28, s23, $0xb8;
	[tilespmem:$0x1A5E0] =	vst v63  }
0x54: {  	s30 =	simm.s32 $0x9BA0;
	s26 =	simm.s32 $0x190;
	_ =	swait.ge [sflag:s9], $0xA00  }
0x55: {  	s25 =	simm.s32 $0x69A0;
	s28 =	simm.s32 $0x41A0;
	[sflag:s9] =	ssyncset.done $0x0  }
.LBB2_3:
0x56: {  	s0 =	sadd.s32 $0xFFFFD800, s30  }
0x57: {  	s4 =	sadd.s32 $0x7D0, s26;
	[sflag:s9] =	ssyncadd.s32 $0xFFFFF600;
	s31 =	smov.u32 s29  }
0x58: {  	[spmem:s1] =	stream.indirect.scatter.add.f32 [tilespmem:s28], [sflag:$0x1], $0x20, s4, s23, $0xb8;
	[tilespmem:$0x1A5E0] =	vst v63  }
0x59: {  	p0 =	sne.s32 s29, $0x1900;
	s29 =	sadd.s32 $0x640, s29;
	_ =	swait.ge [sflag:s9], $0xA00  }
0x5a: {  	[sflag:s9] =	ssyncset.done $0x0  }
0x5b: {  	[sflag:s9] =	ssyncadd.s32 $0xFFFFF600  }
0x5c: {  	[spmem:s2] =	stream.indirect.scatter.add.f32 [tilespmem:s28], [sflag:$0x1], $0x20, s26, s23, $0xb8;
	[tilespmem:$0x1A5E0] =	vst v63  }
0x5d: {  	s28 =	smov.u32 s0;
	_ =	swait.ge [sflag:s9], $0xA00  }
0x5e: {  	[sflag:s9] =	ssyncset.done $0x0  }
0x5f: {  	s4 =	sadd.s32 $0x820, s26;
	s0 =	sadd.s32 $0xFFFFE200, s25;
	[sflag:s9] =	ssyncadd.s32 $0xFFFFF600  }
0x60: {  	[spmem:s1] =	stream.indirect.scatter.add.f32 [tilespmem:s0], [sflag:$0x1], $0x20, s4, s23, $0xb8;
	[tilespmem:$0x1A5E0] =	vst v63  }
0x61: {  	_ =	swait.ge [sflag:s9], $0xA00  }
0x62: {  	[sflag:s9] =	ssyncset.done $0x0  }
0x63: {  	s4 =	sadd.s32 $0x50, s26;
	[sflag:s9] =	ssyncadd.s32 $0xFFFFF600  }
0x64: {  	[spmem:s2] =	stream.indirect.scatter.add.f32 [tilespmem:s0], [sflag:$0x1], $0x20, s4, s23, $0xb8;
	[tilespmem:$0x1A5E0] =	vst v63  }
0x65: {  	_ =	swait.ge [sflag:s9], $0xA00  }
0x66: {  	[sflag:s9] =	ssyncset.done $0x0  }
0x67: {  	s0 =	sadd.s32 $0xFFFFEC00, s25;
	s4 =	sadd.s32 $0x870, s26;
	[sflag:s9] =	ssyncadd.s32 $0xFFFFF600  }
0x68: {  	[spmem:s1] =	stream.indirect.scatter.add.f32 [tilespmem:s0], [sflag:$0x1], $0x20, s4, s23, $0xb8;
	[tilespmem:$0x1A5E0] =	vst v63  }
0x69: {  	_ =	swait.ge [sflag:s9], $0xA00  }
0x6a: {  	[sflag:s9] =	ssyncset.done $0x0  }
0x6b: {  	s4 =	sadd.s32 $0xA0, s26;
	[sflag:s9] =	ssyncadd.s32 $0xFFFFF600  }
0x6c: {  	[spmem:s2] =	stream.indirect.scatter.add.f32 [tilespmem:s0], [sflag:$0x1], $0x20, s4, s23, $0xb8;
	[tilespmem:$0x1A5E0] =	vst v63  }
0x6d: {  	_ =	swait.ge [sflag:s9], $0xA00  }
0x6e: {  	[sflag:s9] =	ssyncset.done $0x0  }
0x6f: {  	s0 =	sadd.s32 $0xFFFFF600, s25;
	s4 =	sadd.s32 $0x8C0, s26;
	[sflag:s9] =	ssyncadd.s32 $0xFFFFF600  }
0x70: {  	[spmem:s1] =	stream.indirect.scatter.add.f32 [tilespmem:s0], [sflag:$0x1], $0x20, s4, s23, $0xb8;
	[tilespmem:$0x1A5E0] =	vst v63  }
0x71: {  	_ =	swait.ge [sflag:s9], $0xA00  }
0x72: {  	[sflag:s9] =	ssyncset.done $0x0  }
0x73: {  	s4 =	sadd.s32 $0xF0, s26;
	[sflag:s9] =	ssyncadd.s32 $0xFFFFF600  }
0x74: {  	[spmem:s2] =	stream.indirect.scatter.add.f32 [tilespmem:s0], [sflag:$0x1], $0x20, s4, s23, $0xb8;
	[tilespmem:$0x1A5E0] =	vst v63  }
0x75: {  	_ =	swait.ge [sflag:s9], $0xA00  }
0x76: {  	[sflag:s9] =	ssyncset.done $0x0  }
0x77: {  	s0 =	sadd.s32 $0x910, s26;
	[sflag:s9] =	ssyncadd.s32 $0xFFFFF600  }
0x78: {  	[spmem:s1] =	stream.indirect.scatter.add.f32 [tilespmem:s25], [sflag:$0x1], $0x20, s0, s23, $0xb8;
	[tilespmem:$0x1A5E0] =	vst v63  }
0x79: {  	_ =	swait.ge [sflag:s9], $0xA00  }
.Ltmp0:
0x7a: {  	[sflag:s9] =	ssyncset.done $0x0;
	(pc) =	sbr.rel @p0 .LBB2_3-.Ltmp0, $4  }
0x7b: {  	s0 =	sadd.s32 $0x140, s26;
	[sflag:s9] =	ssyncadd.s32 $0xFFFFF600  }
0x7c: {  	[spmem:s2] =	stream.indirect.scatter.add.f32 [tilespmem:s25], [sflag:$0x1], $0x20, s0, s23, $0xb8;
	[tilespmem:$0x1A5E0] =	vst v63  }
0x7d: {  	s25 =	smov.u32 s30;
	_ =	swait.ge [sflag:s9], $0xA00  }
0x7e: {  	s26 =	sshra.s32 s31, $0x2;
	s30 =	sadd.s32 $0x3200, s30;
	[sflag:s9] =	ssyncset.done $0x0  }
0x7f: {  	s0 =	sadd.s32 $0x7D0, s26;
	[sflag:s9] =	ssyncadd.s32 $0xFFFFF600  }
0x80: {  	[spmem:s1] =	stream.indirect.scatter.add.f32 [tilespmem:s28], [sflag:$0x1], $0x20, s0, s23, $0xb8;
	[tilespmem:$0x1A5E0] =	vst v63  }
0x81: {  	_ =	swait.ge [sflag:s9], $0xA00  }
0x82: {  	[sflag:s9] =	ssyncset.done $0x0  }
0x83: {  	[sflag:s9] =	ssyncadd.s32 $0xFFFFF600  }
0x84: {  	[spmem:s2] =	stream.indirect.scatter.add.f32 [tilespmem:s28], [sflag:$0x1], $0x20, s26, s23, $0xb8;
	[tilespmem:$0x1A5E0] =	vst v63  }
0x85: {  	_ =	swait.ge [sflag:s9], $0xA00  }
0x86: {  	[sflag:s9] =	ssyncset.done $0x0  }
0x87: {  	s30 =	sadd.s32 $0xFFFFE200, s25;
	s4 =	sadd.s32 $0x820, s26;
	[sflag:s9] =	ssyncadd.s32 $0xFFFFF600  }
0x88: {  	[spmem:s1] =	stream.indirect.scatter.add.f32 [tilespmem:s30], [sflag:$0x1], $0x20, s4, s23, $0xb8;
	[tilespmem:$0x1A5E0] =	vst v63  }
0x89: {  	_ =	swait.ge [sflag:s9], $0xA00  }
0x8a: {  	[sflag:s9] =	ssyncset.done $0x0  }
0x8b: {  	s31 =	sadd.s32 $0x50, s26;
	[sflag:s9] =	ssyncadd.s32 $0xFFFFF600  }
0x8c: {  	[spmem:s2] =	stream.indirect.scatter.add.f32 [tilespmem:s30], [sflag:$0x1], $0x20, s31, s23, $0xb8;
	[tilespmem:$0x1A5E0] =	vst v63  }
0x8d: {  	_ =	swait.ge [sflag:s9], $0xA00  }
0x8e: {  	[sflag:s9] =	ssyncset.done $0x0  }
0x8f: {  	s29 =	sadd.s32 $0x870, s26;
	s28 =	sadd.s32 $0xFFFFEC00, s25;
	[sflag:s9] =	ssyncadd.s32 $0xFFFFF600  }
0x90: {  	[spmem:s1] =	stream.indirect.scatter.add.f32 [tilespmem:s28], [sflag:$0x1], $0x20, s29, s23, $0xb8;
	[tilespmem:$0x1A5E0] =	vst v63  }
0x91: {  	_ =	swait.ge [sflag:s9], $0xA00  }
0x92: {  	[sflag:s9] =	ssyncset.done $0x0  }
0x93: {  	s30 =	sadd.s32 $0xA0, s26;
	[sflag:s9] =	ssyncadd.s32 $0xFFFFF600  }
0x94: {  	[spmem:s2] =	stream.indirect.scatter.add.f32 [tilespmem:s28], [sflag:$0x1], $0x20, s30, s23, $0xb8;
	[tilespmem:$0x1A5E0] =	vst v63  }
0x95: {  	_ =	swait.ge [sflag:s9], $0xA00  }
0x96: {  	[sflag:s9] =	ssyncset.done $0x0  }
0x97: {  	s31 =	sadd.s32 $0xFFFFF600, s25;
	s28 =	sadd.s32 $0x8C0, s26;
	[sflag:s9] =	ssyncadd.s32 $0xFFFFF600  }
0x98: {  	[spmem:s1] =	stream.indirect.scatter.add.f32 [tilespmem:s31], [sflag:$0x1], $0x20, s28, s23, $0xb8;
	[tilespmem:$0x1A5E0] =	vst v63  }
0x99: {  	_ =	swait.ge [sflag:s9], $0xA00  }
0x9a: {  	[sflag:s9] =	ssyncset.done $0x0  }
0x9b: {  	s29 =	sadd.s32 $0xF0, s26;
	[sflag:s9] =	ssyncadd.s32 $0xFFFFF600  }
0x9c: {  	[spmem:s2] =	stream.indirect.scatter.add.f32 [tilespmem:s31], [sflag:$0x1], $0x20, s29, s23, $0xb8;
	[tilespmem:$0x1A5E0] =	vst v63  }
0x9d: {  	_ =	swait.ge [sflag:s9], $0xA00  }
0x9e: {  	[sflag:s9] =	ssyncset.done $0x0  }
0x9f: {  	s30 =	sadd.s32 $0x910, s26;
	[sflag:s9] =	ssyncadd.s32 $0xFFFFF600  }
0xa0: {  	[spmem:s1] =	stream.indirect.scatter.add.f32 [tilespmem:s25], [sflag:$0x1], $0x20, s30, s23, $0xb8;
	[tilespmem:$0x1A5E0] =	vst v63  }
0xa1: {  	s24 =	sadd.s32 $0x1, s24;
	_ =	swait.ge [sflag:s9], $0xA00  }
0xa2: {  	p0 =	sne.s32 s24, $0x5;
	[sflag:s9] =	ssyncset.done $0x0  }
.Ltmp1:
0xa3: {  	s31 =	sadd.s32 $0x140, s26;
	[sflag:s9] =	ssyncadd.s32 $0xFFFFF600;
	(pc) =	sbr.rel @p0 .LBB2_2-.Ltmp1, $4  }
0xa4: {  	[spmem:s2] =	stream.indirect.scatter.add.f32 [tilespmem:s25], [sflag:$0x1], $0x20, s31, s23, $0xb8;
	[tilespmem:$0x1A5E0] =	vst v63  }
0xa5: {  	_ =	swait.ge [sflag:s9], $0xA00  }
0xa6: {  	[sflag:s9] =	ssyncset.done $0x0  }
0xa7: {  	[sflag:s9] =	ssyncadd.s32 $0xFFFFF600  }
0xa8: {  	[bflag:$0x0] =	sbarrier.arrive $0xFFFF  }
0xa9: {  	[hbm:s14], [sflag:s11] =	dma.local [spmem:s17], $0x9C4  }
0xaa: {  	s3 =	sadd.s32 $0x1, s3;
	_ =	swait.ge [sflag:s9], $0x9C4  }
0xab: {  	p0 =	sne.s32 s3, s16;
	[sflag:s9] =	ssyncset.done $0x0  }
.Ltmp2:
0xac: {  	[sflag:s9] =	ssyncadd.s32 $0xFFFFF63C;
	(pc) =	sbr.rel @p0 .LBB2_1-.Ltmp2, $4  }
0xad: {  	[hbm:s15], [sflag:s11] =	dma.local [spmem:s18], $0x9C4  }
0xae: {  	_ =	swait.ge [sflag:s9], $0x9C4  }
0xaf: {  	[sflag:s9] =	ssyncset.done $0x0  }
0xb0: {  	[sflag:s9] =	ssyncadd.s32 $0xFFFFF63C  }
0xb1: {  	_ =	sfence.sel $0x180000  }
0xb2: {  	[bflag:$0x0] =	sbarrier.arrive $0xFFFF  }
0xb3: {  	_ =	strace $0x9000004A  }
0xb4: {  	s0 =	stileid.u32;
	[bflag:$0x2] =	sbarrier.arrive $0xFFFF  }
0xb5: {  	p0 =	sne.s32 s0, $0x0;
	s0 =	rddreg [dreg:$0x4]  }
0xb6: {  	s0 =	sadd.s32 @!p0 $0x100000, s0  }
0xb7: {  	[sflag:s0] =	ssyncadd.tile.s32 @!p0 $0x1;
	_ =	shalt  }
.Lfunc_end2:
_tile_overlayer_lowered:
.L_overlay_start_2:
0xb8: {  	(tag) =	ssettag $0x2  }
0xb9: {  	s0 =	rddreg [dreg:$0x0];
	s2 =	stileid.u32  }
0xba: {  	s1 =	rddreg [dreg:$0x1];
	p0 =	sne.s32 s2, $0x0  }
0xbb: {  	s3 =	rddreg [dreg:$0x2];
	[bflag:$0x3] =	sbarrier.arrive $0xFFFF;
	s2 =	simm.s32 @!p0 $0x1C01  }
0xbc: {  	[timem:s3], [sflag:s2] =	dma.local @!p0 [hbm:s0], s1  }
0xbd: {  	s0 =	simm.s32 @!p0 $0x1  }
0xbe: {  	_ =	swait.ge @!p0 [sflag:s0], s1  }
0xbf: {  	s1 =	ssub.s32 @!p0 $0x0, s1;
	[sflag:s0] =	ssyncset.done @!p0 $0x0  }
0xc0: {  	[sflag:s0] =	ssyncadd.s32 @!p0 s1  }
0xc1: {  	[bflag:$0x3] =	sbarrier.arrive $0xFFFF  }
0xc2: {  	_ =	shalt  }

</sc_bundles>
